<compile_context>
chip_gen: v7x
topology: tpu7x:2x2x1
jax: 0.10.2.dev20260603
libtpu: 0.0.44.dev20260713+nightly
codegen_flags: <defaults>
</compile_context>

<pallas_src>
import jax
import jax.numpy as jnp
from jax import lax
from jax.experimental import pallas as pl
from jax.experimental.pallas import tpu as pltpu
from jax.experimental.pallas import tpu_sc as plsc

_VOCAB = 1000
_W = 26
_ROW = _W * _VOCAB
_NC = 2
_NS = 16
_NW = _NC * _NS
_RPC = 1
_BATCH = 4096
_ROWS_PER_TILE = _BATCH // _NW
_CHUNKS = _ROWS_PER_TILE // _RPC
_ENT = _RPC * _W
_ENT_PAD = 32
_CHUNK_F32 = _RPC * _ROW
_NBUF = 2


def _sc_body(pos_hbm, out_hbm, pos_vmem, vbuf, sem0, sem1, sem2):
    cid = lax.axis_index("c")
    sid = lax.axis_index("s")
    wid = sid * _NC + cid
    row_base = wid * _ROWS_PER_TILE
    sems = (sem0, sem1, sem2)

    pltpu.sync_copy(pos_hbm.at[wid], pos_vmem)

    zeros16 = jnp.zeros((16,), jnp.float32)

    def _zero_row(rr, carry):
        r0 = rr // _W
        r1 = rr - _W * r0

        def _zero_col(k, c2):
            vbuf[r0, r1, pl.ds(k * 16, 16)] = zeros16
            return c2

        lax.fori_loop(0, _VOCAB // 16, _zero_col, None)
        tail = jnp.full((16,), _VOCAB - 16, jnp.int32) + lax.iota(jnp.int32, 16)
        plsc.store_scatter(
            vbuf,
            [jnp.full((16,), r0, jnp.int32), jnp.full((16,), r1, jnp.int32), tail],
            zeros16,
        )
        return carry

    lax.fori_loop(0, _NBUF * _RPC * _W, _zero_row, None)

    ones16 = jnp.ones((16,), jnp.float32)

    def _scatter_chunk(c, b, vals):
        for g in range(_ENT_PAD // 16):
            e = lax.iota(jnp.int32, 16) + (16 * g)
            r = e // _W
            i0 = r + _RPC * b
            i1 = e - _W * r
            i2 = pos_vmem[c, pl.ds(16 * g, 16)]
            plsc.store_scatter(vbuf, [i0, i1, i2], vals, mask=e < _ENT)

    def _chunk_group(t, carry):
        for b in range(_NBUF):
            c = _NBUF * t + b
            row0 = row_base + c * _RPC

            @pl.when(t >= 1)
            def _wait_and_clear(b=b, c=c, row0=row0):
                pltpu.make_async_copy(
                    vbuf.at[pl.ds(_RPC * b, _RPC)],
                    out_hbm.at[pl.ds(row0 - _NBUF * _RPC, _RPC)],
                    sems[b],
                ).wait()
                _scatter_chunk(c - _NBUF, b, zeros16)

            _scatter_chunk(c, b, ones16)
            pltpu.make_async_copy(
                vbuf.at[pl.ds(_RPC * b, _RPC)],
                out_hbm.at[pl.ds(row0, _RPC)],
                sems[b],
            ).start()
        return carry

    n_groups = _CHUNKS // _NBUF
    lax.fori_loop(0, n_groups, _chunk_group, None)
    for b in range(_CHUNKS - n_groups * _NBUF):
        c = n_groups * _NBUF + b
        row0 = row_base + c * _RPC
        pltpu.make_async_copy(
            vbuf.at[pl.ds(_RPC * b, _RPC)],
            out_hbm.at[pl.ds(row0 - _NBUF * _RPC, _RPC)],
            sems[b],
        ).wait()
        _scatter_chunk(c - _NBUF, b, zeros16)
        _scatter_chunk(c, b, ones16)
        pltpu.make_async_copy(
            vbuf.at[pl.ds(_RPC * b, _RPC)],
            out_hbm.at[pl.ds(row0, _RPC)],
            sems[b],
        ).start()

    for b in range(_NBUF):
        pltpu.make_async_copy(
            vbuf.at[pl.ds(_RPC * b, _RPC)],
            out_hbm.at[pl.ds(row_base, _RPC)],
            sems[b],
        ).wait()


def kernel(inputs):
    b, w = inputs.shape
    idx32 = inputs.astype(jnp.int32)
    pos = idx32.reshape(_NW, _CHUNKS, _ENT)
    pos = jnp.pad(pos, ((0, 0), (0, 0), (0, _ENT_PAD - _ENT)))

    mesh = plsc.VectorSubcoreMesh(core_axis_name="c", subcore_axis_name="s")
    fn = pl.kernel(
        _sc_body,
        out_type=jax.ShapeDtypeStruct((b, w, _VOCAB), jnp.float32),
        mesh=mesh,
        compiler_params=pltpu.CompilerParams(needs_layout_passes=False),
        scratch_types=[
            pltpu.VMEM((_CHUNKS, _ENT_PAD), jnp.int32),
            pltpu.VMEM((_NBUF * _RPC, _W, _VOCAB), jnp.float32),
            pltpu.SemaphoreType.DMA,
            pltpu.SemaphoreType.DMA,
            pltpu.SemaphoreType.DMA,
        ],
    )
    return fn(pos)

# --- scband reference (transcript-rebuilt; emitter-appended) ---
"""Pipeline reference for scband-one-hot-layer-82978768158742 (READ-ONLY COPY).

The authoritative reference and input builder live on the scoring server;
editing this copy changes nothing except your own understanding.
"""

import jax, jax.numpy as jnp
import numpy as np

VOCAB_SIZE = 1000

def setup_inputs(seed: int = 0) -> dict:
    key = jax.random.key(seed)
    inputs = jax.random.randint(key, (4096, 26), 0, VOCAB_SIZE, dtype=jnp.int64)
    return {"inputs": inputs}

def reference(inputs) -> jnp.ndarray:
    # Faithful translation of tf.one_hot(inputs, vocab_size) -> float32 one-hot
    return jax.nn.one_hot(inputs, VOCAB_SIZE, dtype=jnp.float32)

if __name__ == "__main__":
    import jax
    _d = setup_inputs()
    print(jax.jit(kernel)(*tuple(_d.values())))

</pallas_src>

<mosaic_0001>
#map = affine_map<(d0, d1) -> (0, 0, 0)>
module attributes {stable_mosaic.version = 14 : i64} {
  func.func @_sc_body(%arg0: i32, %arg1: i32, %arg2: memref<32x128x32xi32, #tpu.memory_space<hbm>>, %arg3: memref<4096x26x1000xf32, #tpu.memory_space<hbm>>, %arg4: memref<128x32xi32, #tpu.memory_space<vmem>>, %arg5: memref<2x26x1000xf32, #tpu.memory_space<vmem>>, %arg6: memref<!tpu.dma_semaphore, #tpu.memory_space<semaphore_mem>>, %arg7: memref<!tpu.dma_semaphore, #tpu.memory_space<semaphore_mem>>, %arg8: memref<!tpu.dma_semaphore, #tpu.memory_space<semaphore_mem>>) attributes {dimension_semantics = [#tpu.dimension_semantics<core_parallel>, #tpu.dimension_semantics<subcore_parallel>], iteration_bounds = array<i64: 2, 16>, scalar_prefetch = 0 : i64, scratch_operands = 5 : i64, tpu.core_type = #tpu.core_type<sc_vector_subcore>, window_params = [{transform_indices = #map}, {transform_indices = #map}]} {
    %mul3A = arith.constant 2 : i32
    %mul3A_0 = arith.muli %arg1, %mul3A : i32
    %add3A = arith.addi %mul3A_0, %arg0 : i32
    %mul3A_1 = arith.constant 128 : i32
    %mul3A_2 = arith.muli %add3A, %mul3A_1 : i32
    "tpu.region"() ({
      %run_scoped3A = tpu.sem_alloc : memref<!tpu.dma_semaphore, #tpu.memory_space<semaphore_mem>>
      %dma_start3A = arith.constant 0 : i32
      %dma_start3A_42 = arith.constant 0 : i32
      %dma_start3A_43 = tpu.memref_slice %arg2[%add3A, %dma_start3A, %dma_start3A_42] : memref<32x128x32xi32, #tpu.memory_space<hbm>> -> memref<1x128x32xi32, #tpu.memory_space<hbm>>
      %dma_start3A_44 = tpu.memref_squeeze %dma_start3A_43 : memref<1x128x32xi32, #tpu.memory_space<hbm>> -> memref<128x32xi32, #tpu.memory_space<hbm>>
      %dma_start3A_45 = arith.constant 0 : i32
      %dma_start3A_46 = arith.constant 0 : i32
      %dma_start3A_47 = tpu.memref_slice %arg2[%add3A, %dma_start3A_45, %dma_start3A_46] : memref<32x128x32xi32, #tpu.memory_space<hbm>> -> memref<1x128x32xi32, #tpu.memory_space<hbm>>
      %dma_start3A_48 = tpu.memref_squeeze %dma_start3A_47 : memref<1x128x32xi32, #tpu.memory_space<hbm>> -> memref<128x32xi32, #tpu.memory_space<hbm>>
      tpu.enqueue_dma source(%dma_start3A_48 : memref<128x32xi32, #tpu.memory_space<hbm>>) target(%arg4 : memref<128x32xi32, #tpu.memory_space<vmem>>) target_semaphore(%run_scoped3A : memref<!tpu.dma_semaphore, #tpu.memory_space<semaphore_mem>>)
      %dma_wait3A_49 = arith.constant 0 : i32
      %dma_wait3A_50 = arith.constant 0 : i32
      %dma_wait3A_51 = tpu.memref_slice %arg2[%add3A, %dma_wait3A_49, %dma_wait3A_50] : memref<32x128x32xi32, #tpu.memory_space<hbm>> -> memref<1x128x32xi32, #tpu.memory_space<hbm>>
      %dma_wait3A_52 = tpu.memref_squeeze %dma_wait3A_51 : memref<1x128x32xi32, #tpu.memory_space<hbm>> -> memref<128x32xi32, #tpu.memory_space<hbm>>
      %dma_wait3A_53 = arith.constant 0 : i32
      %dma_wait3A_54 = arith.constant 0 : i32
      %dma_wait3A_55 = tpu.memref_slice %arg2[%add3A, %dma_wait3A_53, %dma_wait3A_54] : memref<32x128x32xi32, #tpu.memory_space<hbm>> -> memref<1x128x32xi32, #tpu.memory_space<hbm>>
      %dma_wait3A_56 = tpu.memref_squeeze %dma_wait3A_55 : memref<1x128x32xi32, #tpu.memory_space<hbm>> -> memref<128x32xi32, #tpu.memory_space<hbm>>
      tpu.wait_dma2 semaphore(%run_scoped3A : memref<!tpu.dma_semaphore, #tpu.memory_space<semaphore_mem>>) src(%dma_wait3A_56 : memref<128x32xi32, #tpu.memory_space<hbm>>) dst(%arg4 : memref<128x32xi32, #tpu.memory_space<vmem>>)
      tpu.yield
    }) : () -> ()
    %broadcast_in_dim3A = arith.constant 0.000000e+00 : f32
    %broadcast_in_dim3A_3 = vector.broadcast %broadcast_in_dim3A : f32 to vector<16xf32>
    %scan3A = arith.constant 0 : i32
    %scan3A_4 = arith.constant 52 : i32
    %scan3A_5 = arith.addi %scan3A, %scan3A_4 : i32
    %scan3A_6 = arith.constant 1 : i32
    scf.for %scan3A_42 = %scan3A to %scan3A_5 step %scan3A_6  : i32 {
      %jit3A = arith.constant 26 : i32
      %div3A = arith.divsi %scan3A_42, %jit3A : i32
      %sign3A = arith.constant 0 : i32
      %sign3A_43 = arith.cmpi sgt, %scan3A_42, %sign3A : i32
      %sign3A_44 = arith.extui %sign3A_43 : i1 to i32
      %sign3A_45 = arith.constant 0 : i32
      %sign3A_46 = arith.cmpi slt, %scan3A_42, %sign3A_45 : i32
      %sign3A_47 = arith.extui %sign3A_46 : i1 to i32
      %sign3A_48 = arith.subi %sign3A_44, %sign3A_47 : i32
      %sign3A_49 = arith.constant 0 : i32
      %sign3A_50 = arith.cmpi sgt, %jit3A, %sign3A_49 : i32
      %sign3A_51 = arith.extui %sign3A_50 : i1 to i32
      %sign3A_52 = arith.constant 0 : i32
      %sign3A_53 = arith.cmpi slt, %jit3A, %sign3A_52 : i32
      %sign3A_54 = arith.extui %sign3A_53 : i1 to i32
      %sign3A_55 = arith.subi %sign3A_51, %sign3A_54 : i32
      %ne3A = arith.cmpi ne, %sign3A_48, %sign3A_55 : i32
      %rem3A = arith.remsi %scan3A_42, %jit3A : i32
      %ne3A_56 = arith.constant 0 : i32
      %ne3A_57 = arith.cmpi ne, %rem3A, %ne3A_56 : i32
      %and3A = arith.andi %ne3A, %ne3A_57 : i1
      %sub3A = arith.constant 1 : i32
      %sub3A_58 = arith.subi %div3A, %sub3A : i32
      %select_n3A = arith.select %and3A, %sub3A_58, %div3A : i32
      %mul3A_59 = arith.constant 26 : i32
      %mul3A_60 = arith.muli %mul3A_59, %select_n3A : i32
      %sub3A_61 = arith.subi %scan3A_42, %mul3A_60 : i32
      %scan3A_62 = arith.constant 0 : i32
      %scan3A_63 = arith.constant 62 : i32
      %scan3A_64 = arith.addi %scan3A_62, %scan3A_63 : i32
      %scan3A_65 = arith.constant 1 : i32
      scf.for %scan3A_72 = %scan3A_62 to %scan3A_64 step %scan3A_65  : i32 {
        %mul3A_73 = arith.constant 16 : i32
        %mul3A_74 = arith.muli %scan3A_72, %mul3A_73 : i32
        %swap3A = arith.index_cast %select_n3A : i32 to index
        %swap3A_75 = arith.index_cast %sub3A_61 : i32 to index
        %swap3A_76 = arith.index_cast %mul3A_74 : i32 to index
        %swap3A_77 = tpu.vector_load %arg5[%swap3A, %swap3A_75, %swap3A_76] {strides = array<i32>} : memref<2x26x1000xf32, #tpu.memory_space<vmem>>, vector<16xf32>,
        tpu.vector_store %arg5[%swap3A, %swap3A_75, %swap3A_76], %broadcast_in_dim3A_3 {strides = array<i32>} : memref<2x26x1000xf32, #tpu.memory_space<vmem>>, vector<16xf32>,
      }
      %scan3A_66 = arith.constant 62 : i32
      %broadcast_in_dim3A_67 = arith.constant 984 : i32
      %broadcast_in_dim3A_68 = vector.broadcast %broadcast_in_dim3A_67 : i32 to vector<16xi32>
      %iota3A = tpu.iota {dimensions = array<i32: 0>} : vector<16xi32>
      %add3A_69 = arith.addi %broadcast_in_dim3A_68, %iota3A : vector<16xi32>
      %broadcast_in_dim3A_70 = vector.broadcast %select_n3A : i32 to vector<16xi32>
      %broadcast_in_dim3A_71 = vector.broadcast %sub3A_61 : i32 to vector<16xi32>
      tpu.vector_store_idx %arg5[%broadcast_in_dim3A_70, %broadcast_in_dim3A_71, %add3A_69], %broadcast_in_dim3A_3 : memref<2x26x1000xf32, #tpu.memory_space<vmem>>[vector<16xi32>, vector<16xi32>, vector<16xi32>], vector<16xf32>,
    }
    %scan3A_7 = arith.constant 52 : i32
    %broadcast_in_dim3A_8 = arith.constant 1.000000e+00 : f32
    %broadcast_in_dim3A_9 = vector.broadcast %broadcast_in_dim3A_8 : f32 to vector<16xf32>
    %scan3A_10 = arith.constant 0 : i32
    %scan3A_11 = arith.constant 64 : i32
    %scan3A_12 = arith.addi %scan3A_10, %scan3A_11 : i32
    %scan3A_13 = arith.constant 1 : i32
    scf.for %scan3A_42 = %scan3A_10 to %scan3A_12 step %scan3A_13  : i32 {
      %mul3A_43 = arith.constant 2 : i32
      %mul3A_44 = arith.muli %mul3A_43, %scan3A_42 : i32
      %add3A_45 = arith.constant 0 : i32
      %add3A_46 = arith.addi %mul3A_44, %add3A_45 : i32
      %mul3A_47 = arith.constant 1 : i32
      %mul3A_48 = arith.muli %add3A_46, %mul3A_47 : i32
      %add3A_49 = arith.addi %mul3A_2, %mul3A_48 : i32
      %ge3A = arith.constant 1 : i32
      %ge3A_50 = arith.cmpi sge, %scan3A_42, %ge3A : i32
      %convert_element_type3A = arith.extui %ge3A_50 : i1 to i32
      %cond3A = arith.constant 0 : i32
      %cond3A_51 = arith.cmpi ne, %convert_element_type3A, %cond3A : i32
      scf.if %cond3A_51 {
        %sub3A_272 = arith.constant 2 : i32
        %sub3A_273 = arith.subi %add3A_49, %sub3A_272 : i32
        %dma_wait3A_274 = arith.constant 0 : i32
        %dma_wait3A_275 = arith.constant 0 : i32
        %dma_wait3A_276 = arith.constant 0 : i32
        %dma_wait3A_277 = tpu.memref_slice %arg5[%dma_wait3A_274, %dma_wait3A_275, %dma_wait3A_276] : memref<2x26x1000xf32, #tpu.memory_space<vmem>> -> memref<1x26x1000xf32, #tpu.memory_space<vmem>>
        %dma_wait3A_278 = arith.constant 0 : i32
        %dma_wait3A_279 = arith.constant 0 : i32
        %dma_wait3A_280 = tpu.memref_slice %arg3[%sub3A_273, %dma_wait3A_278, %dma_wait3A_279] : memref<4096x26x1000xf32, #tpu.memory_space<hbm>> -> memref<1x26x1000xf32, #tpu.memory_space<hbm>>
        %dma_wait3A_281 = arith.constant 0 : i32
        %dma_wait3A_282 = arith.constant 0 : i32
        %dma_wait3A_283 = tpu.memref_slice %arg3[%sub3A_273, %dma_wait3A_281, %dma_wait3A_282] : memref<4096x26x1000xf32, #tpu.memory_space<hbm>> -> memref<1x26x1000xf32, #tpu.memory_space<hbm>>
        %dma_wait3A_284 = arith.constant 0 : i32
        %dma_wait3A_285 = arith.constant 0 : i32
        %dma_wait3A_286 = arith.constant 0 : i32
        %dma_wait3A_287 = tpu.memref_slice %arg5[%dma_wait3A_284, %dma_wait3A_285, %dma_wait3A_286] : memref<2x26x1000xf32, #tpu.memory_space<vmem>> -> memref<1x26x1000xf32, #tpu.memory_space<vmem>>
        tpu.wait_dma2 semaphore(%arg6 : memref<!tpu.dma_semaphore, #tpu.memory_space<semaphore_mem>>) src(%dma_wait3A_287 : memref<1x26x1000xf32, #tpu.memory_space<vmem>>) dst(%dma_wait3A_283 : memref<1x26x1000xf32, #tpu.memory_space<hbm>>)
        %sub3A_288 = arith.constant 2 : i32
        %sub3A_289 = arith.subi %add3A_46, %sub3A_288 : i32
        %iota3A_290 = tpu.iota {dimensions = array<i32: 0>} : vector<16xi32>
        %add3A_291 = arith.constant 0 : i32
        %add3A_292 = vector.broadcast %add3A_291 : i32 to vector<16xi32>
        %add3A_293 = arith.addi %iota3A_290, %add3A_292 : vector<16xi32>
        %jit3A_294 = arith.constant 26 : i32
        %div3A_295 = vector.broadcast %jit3A_294 : i32 to vector<16xi32>
        %div3A_296 = arith.divsi %add3A_293, %div3A_295 : vector<16xi32>
        %sign3A_297 = arith.constant 0 : i32
        %sign3A_298 = vector.broadcast %sign3A_297 : i32 to vector<16xi32>
        %sign3A_299 = arith.cmpi sgt, %add3A_293, %sign3A_298 : vector<16xi32>
        %sign3A_300 = arith.extui %sign3A_299 : vector<16xi1> to vector<16xi32>
        %sign3A_301 = arith.constant 0 : i32
        %sign3A_302 = vector.broadcast %sign3A_301 : i32 to vector<16xi32>
        %sign3A_303 = arith.cmpi slt, %add3A_293, %sign3A_302 : vector<16xi32>
        %sign3A_304 = arith.extui %sign3A_303 : vector<16xi1> to vector<16xi32>
        %sign3A_305 = arith.subi %sign3A_300, %sign3A_304 : vector<16xi32>
        %sign3A_306 = arith.constant 0 : i32
        %sign3A_307 = arith.cmpi sgt, %jit3A_294, %sign3A_306 : i32
        %sign3A_308 = arith.extui %sign3A_307 : i1 to i32
        %sign3A_309 = arith.constant 0 : i32
        %sign3A_310 = arith.cmpi slt, %jit3A_294, %sign3A_309 : i32
        %sign3A_311 = arith.extui %sign3A_310 : i1 to i32
        %sign3A_312 = arith.subi %sign3A_308, %sign3A_311 : i32
        %ne3A_313 = vector.broadcast %sign3A_312 : i32 to vector<16xi32>
        %ne3A_314 = arith.cmpi ne, %sign3A_305, %ne3A_313 : vector<16xi32>
        %rem3A_315 = vector.broadcast %jit3A_294 : i32 to vector<16xi32>
        %rem3A_316 = arith.remsi %add3A_293, %rem3A_315 : vector<16xi32>
        %ne3A_317 = arith.constant 0 : i32
        %ne3A_318 = vector.broadcast %ne3A_317 : i32 to vector<16xi32>
        %ne3A_319 = arith.cmpi ne, %rem3A_316, %ne3A_318 : vector<16xi32>
        %and3A_320 = arith.andi %ne3A_314, %ne3A_319 : vector<16xi1>
        %sub3A_321 = arith.constant 1 : i32
        %sub3A_322 = vector.broadcast %sub3A_321 : i32 to vector<16xi32>
        %sub3A_323 = arith.subi %div3A_296, %sub3A_322 : vector<16xi32>
        %select_n3A_324 = arith.select %and3A_320, %sub3A_323, %div3A_296 : vector<16xi1>, vector<16xi32>
        %add3A_325 = arith.constant 0 : i32
        %add3A_326 = vector.broadcast %add3A_325 : i32 to vector<16xi32>
        %add3A_327 = arith.addi %select_n3A_324, %add3A_326 : vector<16xi32>
        %mul3A_328 = arith.constant 26 : i32
        %mul3A_329 = vector.broadcast %mul3A_328 : i32 to vector<16xi32>
        %mul3A_330 = arith.muli %mul3A_329, %select_n3A_324 : vector<16xi32>
        %sub3A_331 = arith.subi %add3A_293, %mul3A_330 : vector<16xi32>
        %get3A_332 = arith.index_cast %sub3A_289 : i32 to index
        %get3A_333 = arith.constant 0 : index
        %get3A_334 = tpu.vector_load %arg4[%get3A_332, %get3A_333] {strides = array<i32>} : memref<128x32xi32, #tpu.memory_space<vmem>>, vector<16xi32>,
        %lt3A_335 = arith.constant 26 : i32
        %lt3A_336 = vector.broadcast %lt3A_335 : i32 to vector<16xi32>
        %lt3A_337 = arith.cmpi slt, %add3A_293, %lt3A_336 : vector<16xi32>
        tpu.vector_store_idx %arg5[%add3A_327, %sub3A_331, %get3A_334], %broadcast_in_dim3A_3 masked %lt3A_337 : memref<2x26x1000xf32, #tpu.memory_space<vmem>>[vector<16xi32>, vector<16xi32>, vector<16xi32>], vector<16xf32>, vector<16xi1>
        %iota3A_338 = tpu.iota {dimensions = array<i32: 0>} : vector<16xi32>
        %add3A_339 = arith.constant 16 : i32
        %add3A_340 = vector.broadcast %add3A_339 : i32 to vector<16xi32>
        %add3A_341 = arith.addi %iota3A_338, %add3A_340 : vector<16xi32>
        %jit3A_342 = arith.constant 26 : i32
        %div3A_343 = vector.broadcast %jit3A_342 : i32 to vector<16xi32>
        %div3A_344 = arith.divsi %add3A_341, %div3A_343 : vector<16xi32>
        %sign3A_345 = arith.constant 0 : i32
        %sign3A_346 = vector.broadcast %sign3A_345 : i32 to vector<16xi32>
        %sign3A_347 = arith.cmpi sgt, %add3A_341, %sign3A_346 : vector<16xi32>
        %sign3A_348 = arith.extui %sign3A_347 : vector<16xi1> to vector<16xi32>
        %sign3A_349 = arith.constant 0 : i32
        %sign3A_350 = vector.broadcast %sign3A_349 : i32 to vector<16xi32>
        %sign3A_351 = arith.cmpi slt, %add3A_341, %sign3A_350 : vector<16xi32>
        %sign3A_352 = arith.extui %sign3A_351 : vector<16xi1> to vector<16xi32>
        %sign3A_353 = arith.subi %sign3A_348, %sign3A_352 : vector<16xi32>
        %sign3A_354 = arith.constant 0 : i32
        %sign3A_355 = arith.cmpi sgt, %jit3A_342, %sign3A_354 : i32
        %sign3A_356 = arith.extui %sign3A_355 : i1 to i32
        %sign3A_357 = arith.constant 0 : i32
        %sign3A_358 = arith.cmpi slt, %jit3A_342, %sign3A_357 : i32
        %sign3A_359 = arith.extui %sign3A_358 : i1 to i32
        %sign3A_360 = arith.subi %sign3A_356, %sign3A_359 : i32
        %ne3A_361 = vector.broadcast %sign3A_360 : i32 to vector<16xi32>
        %ne3A_362 = arith.cmpi ne, %sign3A_353, %ne3A_361 : vector<16xi32>
        %rem3A_363 = vector.broadcast %jit3A_342 : i32 to vector<16xi32>
        %rem3A_364 = arith.remsi %add3A_341, %rem3A_363 : vector<16xi32>
        %ne3A_365 = arith.constant 0 : i32
        %ne3A_366 = vector.broadcast %ne3A_365 : i32 to vector<16xi32>
        %ne3A_367 = arith.cmpi ne, %rem3A_364, %ne3A_366 : vector<16xi32>
        %and3A_368 = arith.andi %ne3A_362, %ne3A_367 : vector<16xi1>
        %sub3A_369 = arith.constant 1 : i32
        %sub3A_370 = vector.broadcast %sub3A_369 : i32 to vector<16xi32>
        %sub3A_371 = arith.subi %div3A_344, %sub3A_370 : vector<16xi32>
        %select_n3A_372 = arith.select %and3A_368, %sub3A_371, %div3A_344 : vector<16xi1>, vector<16xi32>
        %add3A_373 = arith.constant 0 : i32
        %add3A_374 = vector.broadcast %add3A_373 : i32 to vector<16xi32>
        %add3A_375 = arith.addi %select_n3A_372, %add3A_374 : vector<16xi32>
        %mul3A_376 = arith.constant 26 : i32
        %mul3A_377 = vector.broadcast %mul3A_376 : i32 to vector<16xi32>
        %mul3A_378 = arith.muli %mul3A_377, %select_n3A_372 : vector<16xi32>
        %sub3A_379 = arith.subi %add3A_341, %mul3A_378 : vector<16xi32>
        %get3A_380 = arith.index_cast %sub3A_289 : i32 to index
        %get3A_381 = arith.constant 16 : index
        %get3A_382 = tpu.vector_load %arg4[%get3A_380, %get3A_381] {strides = array<i32>} : memref<128x32xi32, #tpu.memory_space<vmem>>, vector<16xi32>,
        %lt3A_383 = arith.constant 26 : i32
        %lt3A_384 = vector.broadcast %lt3A_383 : i32 to vector<16xi32>
        %lt3A_385 = arith.cmpi slt, %add3A_341, %lt3A_384 : vector<16xi32>
        tpu.vector_store_idx %arg5[%add3A_375, %sub3A_379, %get3A_382], %broadcast_in_dim3A_3 masked %lt3A_385 : memref<2x26x1000xf32, #tpu.memory_space<vmem>>[vector<16xi32>, vector<16xi32>, vector<16xi32>], vector<16xf32>, vector<16xi1>
      } else {
      }
      %iota3A = tpu.iota {dimensions = array<i32: 0>} : vector<16xi32>
      %add3A_52 = arith.constant 0 : i32
      %add3A_53 = vector.broadcast %add3A_52 : i32 to vector<16xi32>
      %add3A_54 = arith.addi %iota3A, %add3A_53 : vector<16xi32>
      %jit3A = arith.constant 26 : i32
      %div3A = vector.broadcast %jit3A : i32 to vector<16xi32>
      %div3A_55 = arith.divsi %add3A_54, %div3A : vector<16xi32>
      %sign3A = arith.constant 0 : i32
      %sign3A_56 = vector.broadcast %sign3A : i32 to vector<16xi32>
      %sign3A_57 = arith.cmpi sgt, %add3A_54, %sign3A_56 : vector<16xi32>
      %sign3A_58 = arith.extui %sign3A_57 : vector<16xi1> to vector<16xi32>
      %sign3A_59 = arith.constant 0 : i32
      %sign3A_60 = vector.broadcast %sign3A_59 : i32 to vector<16xi32>
      %sign3A_61 = arith.cmpi slt, %add3A_54, %sign3A_60 : vector<16xi32>
      %sign3A_62 = arith.extui %sign3A_61 : vector<16xi1> to vector<16xi32>
      %sign3A_63 = arith.subi %sign3A_58, %sign3A_62 : vector<16xi32>
      %sign3A_64 = arith.constant 0 : i32
      %sign3A_65 = arith.cmpi sgt, %jit3A, %sign3A_64 : i32
      %sign3A_66 = arith.extui %sign3A_65 : i1 to i32
      %sign3A_67 = arith.constant 0 : i32
      %sign3A_68 = arith.cmpi slt, %jit3A, %sign3A_67 : i32
      %sign3A_69 = arith.extui %sign3A_68 : i1 to i32
      %sign3A_70 = arith.subi %sign3A_66, %sign3A_69 : i32
      %ne3A = vector.broadcast %sign3A_70 : i32 to vector<16xi32>
      %ne3A_71 = arith.cmpi ne, %sign3A_63, %ne3A : vector<16xi32>
      %rem3A = vector.broadcast %jit3A : i32 to vector<16xi32>
      %rem3A_72 = arith.remsi %add3A_54, %rem3A : vector<16xi32>
      %ne3A_73 = arith.constant 0 : i32
      %ne3A_74 = vector.broadcast %ne3A_73 : i32 to vector<16xi32>
      %ne3A_75 = arith.cmpi ne, %rem3A_72, %ne3A_74 : vector<16xi32>
      %and3A = arith.andi %ne3A_71, %ne3A_75 : vector<16xi1>
      %sub3A = arith.constant 1 : i32
      %sub3A_76 = vector.broadcast %sub3A : i32 to vector<16xi32>
      %sub3A_77 = arith.subi %div3A_55, %sub3A_76 : vector<16xi32>
      %select_n3A = arith.select %and3A, %sub3A_77, %div3A_55 : vector<16xi1>, vector<16xi32>
      %add3A_78 = arith.constant 0 : i32
      %add3A_79 = vector.broadcast %add3A_78 : i32 to vector<16xi32>
      %add3A_80 = arith.addi %select_n3A, %add3A_79 : vector<16xi32>
      %mul3A_81 = arith.constant 26 : i32
      %mul3A_82 = vector.broadcast %mul3A_81 : i32 to vector<16xi32>
      %mul3A_83 = arith.muli %mul3A_82, %select_n3A : vector<16xi32>
      %sub3A_84 = arith.subi %add3A_54, %mul3A_83 : vector<16xi32>
      %get3A = arith.index_cast %add3A_46 : i32 to index
      %get3A_85 = arith.constant 0 : index
      %get3A_86 = tpu.vector_load %arg4[%get3A, %get3A_85] {strides = array<i32>} : memref<128x32xi32, #tpu.memory_space<vmem>>, vector<16xi32>,
      %lt3A = arith.constant 26 : i32
      %lt3A_87 = vector.broadcast %lt3A : i32 to vector<16xi32>
      %lt3A_88 = arith.cmpi slt, %add3A_54, %lt3A_87 : vector<16xi32>
      tpu.vector_store_idx %arg5[%add3A_80, %sub3A_84, %get3A_86], %broadcast_in_dim3A_9 masked %lt3A_88 : memref<2x26x1000xf32, #tpu.memory_space<vmem>>[vector<16xi32>, vector<16xi32>, vector<16xi32>], vector<16xf32>, vector<16xi1>
      %iota3A_89 = tpu.iota {dimensions = array<i32: 0>} : vector<16xi32>
      %add3A_90 = arith.constant 16 : i32
      %add3A_91 = vector.broadcast %add3A_90 : i32 to vector<16xi32>
      %add3A_92 = arith.addi %iota3A_89, %add3A_91 : vector<16xi32>
      %jit3A_93 = arith.constant 26 : i32
      %div3A_94 = vector.broadcast %jit3A_93 : i32 to vector<16xi32>
      %div3A_95 = arith.divsi %add3A_92, %div3A_94 : vector<16xi32>
      %sign3A_96 = arith.constant 0 : i32
      %sign3A_97 = vector.broadcast %sign3A_96 : i32 to vector<16xi32>
      %sign3A_98 = arith.cmpi sgt, %add3A_92, %sign3A_97 : vector<16xi32>
      %sign3A_99 = arith.extui %sign3A_98 : vector<16xi1> to vector<16xi32>
      %sign3A_100 = arith.constant 0 : i32
      %sign3A_101 = vector.broadcast %sign3A_100 : i32 to vector<16xi32>
      %sign3A_102 = arith.cmpi slt, %add3A_92, %sign3A_101 : vector<16xi32>
      %sign3A_103 = arith.extui %sign3A_102 : vector<16xi1> to vector<16xi32>
      %sign3A_104 = arith.subi %sign3A_99, %sign3A_103 : vector<16xi32>
      %sign3A_105 = arith.constant 0 : i32
      %sign3A_106 = arith.cmpi sgt, %jit3A_93, %sign3A_105 : i32
      %sign3A_107 = arith.extui %sign3A_106 : i1 to i32
      %sign3A_108 = arith.constant 0 : i32
      %sign3A_109 = arith.cmpi slt, %jit3A_93, %sign3A_108 : i32
      %sign3A_110 = arith.extui %sign3A_109 : i1 to i32
      %sign3A_111 = arith.subi %sign3A_107, %sign3A_110 : i32
      %ne3A_112 = vector.broadcast %sign3A_111 : i32 to vector<16xi32>
      %ne3A_113 = arith.cmpi ne, %sign3A_104, %ne3A_112 : vector<16xi32>
      %rem3A_114 = vector.broadcast %jit3A_93 : i32 to vector<16xi32>
      %rem3A_115 = arith.remsi %add3A_92, %rem3A_114 : vector<16xi32>
      %ne3A_116 = arith.constant 0 : i32
      %ne3A_117 = vector.broadcast %ne3A_116 : i32 to vector<16xi32>
      %ne3A_118 = arith.cmpi ne, %rem3A_115, %ne3A_117 : vector<16xi32>
      %and3A_119 = arith.andi %ne3A_113, %ne3A_118 : vector<16xi1>
      %sub3A_120 = arith.constant 1 : i32
      %sub3A_121 = vector.broadcast %sub3A_120 : i32 to vector<16xi32>
      %sub3A_122 = arith.subi %div3A_95, %sub3A_121 : vector<16xi32>
      %select_n3A_123 = arith.select %and3A_119, %sub3A_122, %div3A_95 : vector<16xi1>, vector<16xi32>
      %add3A_124 = arith.constant 0 : i32
      %add3A_125 = vector.broadcast %add3A_124 : i32 to vector<16xi32>
      %add3A_126 = arith.addi %select_n3A_123, %add3A_125 : vector<16xi32>
      %mul3A_127 = arith.constant 26 : i32
      %mul3A_128 = vector.broadcast %mul3A_127 : i32 to vector<16xi32>
      %mul3A_129 = arith.muli %mul3A_128, %select_n3A_123 : vector<16xi32>
      %sub3A_130 = arith.subi %add3A_92, %mul3A_129 : vector<16xi32>
      %get3A_131 = arith.index_cast %add3A_46 : i32 to index
      %get3A_132 = arith.constant 16 : index
      %get3A_133 = tpu.vector_load %arg4[%get3A_131, %get3A_132] {strides = array<i32>} : memref<128x32xi32, #tpu.memory_space<vmem>>, vector<16xi32>,
      %lt3A_134 = arith.constant 26 : i32
      %lt3A_135 = vector.broadcast %lt3A_134 : i32 to vector<16xi32>
      %lt3A_136 = arith.cmpi slt, %add3A_92, %lt3A_135 : vector<16xi32>
      tpu.vector_store_idx %arg5[%add3A_126, %sub3A_130, %get3A_133], %broadcast_in_dim3A_9 masked %lt3A_136 : memref<2x26x1000xf32, #tpu.memory_space<vmem>>[vector<16xi32>, vector<16xi32>, vector<16xi32>], vector<16xf32>, vector<16xi1>
      %dma_start3A = arith.constant 0 : i32
      %dma_start3A_137 = arith.constant 0 : i32
      %dma_start3A_138 = arith.constant 0 : i32
      %dma_start3A_139 = tpu.memref_slice %arg5[%dma_start3A, %dma_start3A_137, %dma_start3A_138] : memref<2x26x1000xf32, #tpu.memory_space<vmem>> -> memref<1x26x1000xf32, #tpu.memory_space<vmem>>
      %dma_start3A_140 = arith.constant 0 : i32
      %dma_start3A_141 = arith.constant 0 : i32
      %dma_start3A_142 = tpu.memref_slice %arg3[%add3A_49, %dma_start3A_140, %dma_start3A_141] : memref<4096x26x1000xf32, #tpu.memory_space<hbm>> -> memref<1x26x1000xf32, #tpu.memory_space<hbm>>
      %dma_start3A_143 = arith.constant 0 : i32
      %dma_start3A_144 = arith.constant 0 : i32
      %dma_start3A_145 = tpu.memref_slice %arg3[%add3A_49, %dma_start3A_143, %dma_start3A_144] : memref<4096x26x1000xf32, #tpu.memory_space<hbm>> -> memref<1x26x1000xf32, #tpu.memory_space<hbm>>
      %dma_start3A_146 = arith.constant 0 : i32
      %dma_start3A_147 = arith.constant 0 : i32
      %dma_start3A_148 = arith.constant 0 : i32
      %dma_start3A_149 = tpu.memref_slice %arg5[%dma_start3A_146, %dma_start3A_147, %dma_start3A_148] : memref<2x26x1000xf32, #tpu.memory_space<vmem>> -> memref<1x26x1000xf32, #tpu.memory_space<vmem>>
      tpu.enqueue_dma source(%dma_start3A_149 : memref<1x26x1000xf32, #tpu.memory_space<vmem>>) target(%dma_start3A_145 : memref<1x26x1000xf32, #tpu.memory_space<hbm>>) target_semaphore(%arg6 : memref<!tpu.dma_semaphore, #tpu.memory_space<semaphore_mem>>)
      %mul3A_150 = arith.constant 2 : i32
      %mul3A_151 = arith.muli %mul3A_150, %scan3A_42 : i32
      %add3A_152 = arith.constant 1 : i32
      %add3A_153 = arith.addi %mul3A_151, %add3A_152 : i32
      %mul3A_154 = arith.constant 1 : i32
      %mul3A_155 = arith.muli %add3A_153, %mul3A_154 : i32
      %add3A_156 = arith.addi %mul3A_2, %mul3A_155 : i32
      %ge3A_157 = arith.constant 1 : i32
      %ge3A_158 = arith.cmpi sge, %scan3A_42, %ge3A_157 : i32
      %convert_element_type3A_159 = arith.extui %ge3A_158 : i1 to i32
      %cond3A_160 = arith.constant 0 : i32
      %cond3A_161 = arith.cmpi ne, %convert_element_type3A_159, %cond3A_160 : i32
      scf.if %cond3A_161 {
        %sub3A_272 = arith.constant 2 : i32
        %sub3A_273 = arith.subi %add3A_156, %sub3A_272 : i32
        %dma_wait3A_274 = arith.constant 1 : i32
        %dma_wait3A_275 = arith.constant 0 : i32
        %dma_wait3A_276 = arith.constant 0 : i32
        %dma_wait3A_277 = tpu.memref_slice %arg5[%dma_wait3A_274, %dma_wait3A_275, %dma_wait3A_276] : memref<2x26x1000xf32, #tpu.memory_space<vmem>> -> memref<1x26x1000xf32, #tpu.memory_space<vmem>>
        %dma_wait3A_278 = arith.constant 0 : i32
        %dma_wait3A_279 = arith.constant 0 : i32
        %dma_wait3A_280 = tpu.memref_slice %arg3[%sub3A_273, %dma_wait3A_278, %dma_wait3A_279] : memref<4096x26x1000xf32, #tpu.memory_space<hbm>> -> memref<1x26x1000xf32, #tpu.memory_space<hbm>>
        %dma_wait3A_281 = arith.constant 0 : i32
        %dma_wait3A_282 = arith.constant 0 : i32
        %dma_wait3A_283 = tpu.memref_slice %arg3[%sub3A_273, %dma_wait3A_281, %dma_wait3A_282] : memref<4096x26x1000xf32, #tpu.memory_space<hbm>> -> memref<1x26x1000xf32, #tpu.memory_space<hbm>>
        %dma_wait3A_284 = arith.constant 1 : i32
        %dma_wait3A_285 = arith.constant 0 : i32
        %dma_wait3A_286 = arith.constant 0 : i32
        %dma_wait3A_287 = tpu.memref_slice %arg5[%dma_wait3A_284, %dma_wait3A_285, %dma_wait3A_286] : memref<2x26x1000xf32, #tpu.memory_space<vmem>> -> memref<1x26x1000xf32, #tpu.memory_space<vmem>>
        tpu.wait_dma2 semaphore(%arg7 : memref<!tpu.dma_semaphore, #tpu.memory_space<semaphore_mem>>) src(%dma_wait3A_287 : memref<1x26x1000xf32, #tpu.memory_space<vmem>>) dst(%dma_wait3A_283 : memref<1x26x1000xf32, #tpu.memory_space<hbm>>)
        %sub3A_288 = arith.constant 2 : i32
        %sub3A_289 = arith.subi %add3A_153, %sub3A_288 : i32
        %iota3A_290 = tpu.iota {dimensions = array<i32: 0>} : vector<16xi32>
        %add3A_291 = arith.constant 0 : i32
        %add3A_292 = vector.broadcast %add3A_291 : i32 to vector<16xi32>
        %add3A_293 = arith.addi %iota3A_290, %add3A_292 : vector<16xi32>
        %jit3A_294 = arith.constant 26 : i32
        %div3A_295 = vector.broadcast %jit3A_294 : i32 to vector<16xi32>
        %div3A_296 = arith.divsi %add3A_293, %div3A_295 : vector<16xi32>
        %sign3A_297 = arith.constant 0 : i32
        %sign3A_298 = vector.broadcast %sign3A_297 : i32 to vector<16xi32>
        %sign3A_299 = arith.cmpi sgt, %add3A_293, %sign3A_298 : vector<16xi32>
        %sign3A_300 = arith.extui %sign3A_299 : vector<16xi1> to vector<16xi32>
        %sign3A_301 = arith.constant 0 : i32
        %sign3A_302 = vector.broadcast %sign3A_301 : i32 to vector<16xi32>
        %sign3A_303 = arith.cmpi slt, %add3A_293, %sign3A_302 : vector<16xi32>
        %sign3A_304 = arith.extui %sign3A_303 : vector<16xi1> to vector<16xi32>
        %sign3A_305 = arith.subi %sign3A_300, %sign3A_304 : vector<16xi32>
        %sign3A_306 = arith.constant 0 : i32
        %sign3A_307 = arith.cmpi sgt, %jit3A_294, %sign3A_306 : i32
        %sign3A_308 = arith.extui %sign3A_307 : i1 to i32
        %sign3A_309 = arith.constant 0 : i32
        %sign3A_310 = arith.cmpi slt, %jit3A_294, %sign3A_309 : i32
        %sign3A_311 = arith.extui %sign3A_310 : i1 to i32
        %sign3A_312 = arith.subi %sign3A_308, %sign3A_311 : i32
        %ne3A_313 = vector.broadcast %sign3A_312 : i32 to vector<16xi32>
        %ne3A_314 = arith.cmpi ne, %sign3A_305, %ne3A_313 : vector<16xi32>
        %rem3A_315 = vector.broadcast %jit3A_294 : i32 to vector<16xi32>
        %rem3A_316 = arith.remsi %add3A_293, %rem3A_315 : vector<16xi32>
        %ne3A_317 = arith.constant 0 : i32
        %ne3A_318 = vector.broadcast %ne3A_317 : i32 to vector<16xi32>
        %ne3A_319 = arith.cmpi ne, %rem3A_316, %ne3A_318 : vector<16xi32>
        %and3A_320 = arith.andi %ne3A_314, %ne3A_319 : vector<16xi1>
        %sub3A_321 = arith.constant 1 : i32
        %sub3A_322 = vector.broadcast %sub3A_321 : i32 to vector<16xi32>
        %sub3A_323 = arith.subi %div3A_296, %sub3A_322 : vector<16xi32>
        %select_n3A_324 = arith.select %and3A_320, %sub3A_323, %div3A_296 : vector<16xi1>, vector<16xi32>
        %add3A_325 = arith.constant 1 : i32
        %add3A_326 = vector.broadcast %add3A_325 : i32 to vector<16xi32>
        %add3A_327 = arith.addi %select_n3A_324, %add3A_326 : vector<16xi32>
        %mul3A_328 = arith.constant 26 : i32
        %mul3A_329 = vector.broadcast %mul3A_328 : i32 to vector<16xi32>
        %mul3A_330 = arith.muli %mul3A_329, %select_n3A_324 : vector<16xi32>
        %sub3A_331 = arith.subi %add3A_293, %mul3A_330 : vector<16xi32>
        %get3A_332 = arith.index_cast %sub3A_289 : i32 to index
        %get3A_333 = arith.constant 0 : index
        %get3A_334 = tpu.vector_load %arg4[%get3A_332, %get3A_333] {strides = array<i32>} : memref<128x32xi32, #tpu.memory_space<vmem>>, vector<16xi32>,
        %lt3A_335 = arith.constant 26 : i32
        %lt3A_336 = vector.broadcast %lt3A_335 : i32 to vector<16xi32>
        %lt3A_337 = arith.cmpi slt, %add3A_293, %lt3A_336 : vector<16xi32>
        tpu.vector_store_idx %arg5[%add3A_327, %sub3A_331, %get3A_334], %broadcast_in_dim3A_3 masked %lt3A_337 : memref<2x26x1000xf32, #tpu.memory_space<vmem>>[vector<16xi32>, vector<16xi32>, vector<16xi32>], vector<16xf32>, vector<16xi1>
        %iota3A_338 = tpu.iota {dimensions = array<i32: 0>} : vector<16xi32>
        %add3A_339 = arith.constant 16 : i32
        %add3A_340 = vector.broadcast %add3A_339 : i32 to vector<16xi32>
        %add3A_341 = arith.addi %iota3A_338, %add3A_340 : vector<16xi32>
        %jit3A_342 = arith.constant 26 : i32
        %div3A_343 = vector.broadcast %jit3A_342 : i32 to vector<16xi32>
        %div3A_344 = arith.divsi %add3A_341, %div3A_343 : vector<16xi32>
        %sign3A_345 = arith.constant 0 : i32
        %sign3A_346 = vector.broadcast %sign3A_345 : i32 to vector<16xi32>
        %sign3A_347 = arith.cmpi sgt, %add3A_341, %sign3A_346 : vector<16xi32>
        %sign3A_348 = arith.extui %sign3A_347 : vector<16xi1> to vector<16xi32>
        %sign3A_349 = arith.constant 0 : i32
        %sign3A_350 = vector.broadcast %sign3A_349 : i32 to vector<16xi32>
        %sign3A_351 = arith.cmpi slt, %add3A_341, %sign3A_350 : vector<16xi32>
        %sign3A_352 = arith.extui %sign3A_351 : vector<16xi1> to vector<16xi32>
        %sign3A_353 = arith.subi %sign3A_348, %sign3A_352 : vector<16xi32>
        %sign3A_354 = arith.constant 0 : i32
        %sign3A_355 = arith.cmpi sgt, %jit3A_342, %sign3A_354 : i32
        %sign3A_356 = arith.extui %sign3A_355 : i1 to i32
        %sign3A_357 = arith.constant 0 : i32
        %sign3A_358 = arith.cmpi slt, %jit3A_342, %sign3A_357 : i32
        %sign3A_359 = arith.extui %sign3A_358 : i1 to i32
        %sign3A_360 = arith.subi %sign3A_356, %sign3A_359 : i32
        %ne3A_361 = vector.broadcast %sign3A_360 : i32 to vector<16xi32>
        %ne3A_362 = arith.cmpi ne, %sign3A_353, %ne3A_361 : vector<16xi32>
        %rem3A_363 = vector.broadcast %jit3A_342 : i32 to vector<16xi32>
        %rem3A_364 = arith.remsi %add3A_341, %rem3A_363 : vector<16xi32>
        %ne3A_365 = arith.constant 0 : i32
        %ne3A_366 = vector.broadcast %ne3A_365 : i32 to vector<16xi32>
        %ne3A_367 = arith.cmpi ne, %rem3A_364, %ne3A_366 : vector<16xi32>
        %and3A_368 = arith.andi %ne3A_362, %ne3A_367 : vector<16xi1>
        %sub3A_369 = arith.constant 1 : i32
        %sub3A_370 = vector.broadcast %sub3A_369 : i32 to vector<16xi32>
        %sub3A_371 = arith.subi %div3A_344, %sub3A_370 : vector<16xi32>
        %select_n3A_372 = arith.select %and3A_368, %sub3A_371, %div3A_344 : vector<16xi1>, vector<16xi32>
        %add3A_373 = arith.constant 1 : i32
        %add3A_374 = vector.broadcast %add3A_373 : i32 to vector<16xi32>
        %add3A_375 = arith.addi %select_n3A_372, %add3A_374 : vector<16xi32>
        %mul3A_376 = arith.constant 26 : i32
        %mul3A_377 = vector.broadcast %mul3A_376 : i32 to vector<16xi32>
        %mul3A_378 = arith.muli %mul3A_377, %select_n3A_372 : vector<16xi32>
        %sub3A_379 = arith.subi %add3A_341, %mul3A_378 : vector<16xi32>
        %get3A_380 = arith.index_cast %sub3A_289 : i32 to index
        %get3A_381 = arith.constant 16 : index
        %get3A_382 = tpu.vector_load %arg4[%get3A_380, %get3A_381] {strides = array<i32>} : memref<128x32xi32, #tpu.memory_space<vmem>>, vector<16xi32>,
        %lt3A_383 = arith.constant 26 : i32
        %lt3A_384 = vector.broadcast %lt3A_383 : i32 to vector<16xi32>
        %lt3A_385 = arith.cmpi slt, %add3A_341, %lt3A_384 : vector<16xi32>
        tpu.vector_store_idx %arg5[%add3A_375, %sub3A_379, %get3A_382], %broadcast_in_dim3A_3 masked %lt3A_385 : memref<2x26x1000xf32, #tpu.memory_space<vmem>>[vector<16xi32>, vector<16xi32>, vector<16xi32>], vector<16xf32>, vector<16xi1>
      } else {
      }
      %iota3A_162 = tpu.iota {dimensions = array<i32: 0>} : vector<16xi32>
      %add3A_163 = arith.constant 0 : i32
      %add3A_164 = vector.broadcast %add3A_163 : i32 to vector<16xi32>
      %add3A_165 = arith.addi %iota3A_162, %add3A_164 : vector<16xi32>
      %jit3A_166 = arith.constant 26 : i32
      %div3A_167 = vector.broadcast %jit3A_166 : i32 to vector<16xi32>
      %div3A_168 = arith.divsi %add3A_165, %div3A_167 : vector<16xi32>
      %sign3A_169 = arith.constant 0 : i32
      %sign3A_170 = vector.broadcast %sign3A_169 : i32 to vector<16xi32>
      %sign3A_171 = arith.cmpi sgt, %add3A_165, %sign3A_170 : vector<16xi32>
      %sign3A_172 = arith.extui %sign3A_171 : vector<16xi1> to vector<16xi32>
      %sign3A_173 = arith.constant 0 : i32
      %sign3A_174 = vector.broadcast %sign3A_173 : i32 to vector<16xi32>
      %sign3A_175 = arith.cmpi slt, %add3A_165, %sign3A_174 : vector<16xi32>
      %sign3A_176 = arith.extui %sign3A_175 : vector<16xi1> to vector<16xi32>
      %sign3A_177 = arith.subi %sign3A_172, %sign3A_176 : vector<16xi32>
      %sign3A_178 = arith.constant 0 : i32
      %sign3A_179 = arith.cmpi sgt, %jit3A_166, %sign3A_178 : i32
      %sign3A_180 = arith.extui %sign3A_179 : i1 to i32
      %sign3A_181 = arith.constant 0 : i32
      %sign3A_182 = arith.cmpi slt, %jit3A_166, %sign3A_181 : i32
      %sign3A_183 = arith.extui %sign3A_182 : i1 to i32
      %sign3A_184 = arith.subi %sign3A_180, %sign3A_183 : i32
      %ne3A_185 = vector.broadcast %sign3A_184 : i32 to vector<16xi32>
      %ne3A_186 = arith.cmpi ne, %sign3A_177, %ne3A_185 : vector<16xi32>
      %rem3A_187 = vector.broadcast %jit3A_166 : i32 to vector<16xi32>
      %rem3A_188 = arith.remsi %add3A_165, %rem3A_187 : vector<16xi32>
      %ne3A_189 = arith.constant 0 : i32
      %ne3A_190 = vector.broadcast %ne3A_189 : i32 to vector<16xi32>
      %ne3A_191 = arith.cmpi ne, %rem3A_188, %ne3A_190 : vector<16xi32>
      %and3A_192 = arith.andi %ne3A_186, %ne3A_191 : vector<16xi1>
      %sub3A_193 = arith.constant 1 : i32
      %sub3A_194 = vector.broadcast %sub3A_193 : i32 to vector<16xi32>
      %sub3A_195 = arith.subi %div3A_168, %sub3A_194 : vector<16xi32>
      %select_n3A_196 = arith.select %and3A_192, %sub3A_195, %div3A_168 : vector<16xi1>, vector<16xi32>
      %add3A_197 = arith.constant 1 : i32
      %add3A_198 = vector.broadcast %add3A_197 : i32 to vector<16xi32>
      %add3A_199 = arith.addi %select_n3A_196, %add3A_198 : vector<16xi32>
      %mul3A_200 = arith.constant 26 : i32
      %mul3A_201 = vector.broadcast %mul3A_200 : i32 to vector<16xi32>
      %mul3A_202 = arith.muli %mul3A_201, %select_n3A_196 : vector<16xi32>
      %sub3A_203 = arith.subi %add3A_165, %mul3A_202 : vector<16xi32>
      %get3A_204 = arith.index_cast %add3A_153 : i32 to index
      %get3A_205 = arith.constant 0 : index
      %get3A_206 = tpu.vector_load %arg4[%get3A_204, %get3A_205] {strides = array<i32>} : memref<128x32xi32, #tpu.memory_space<vmem>>, vector<16xi32>,
      %lt3A_207 = arith.constant 26 : i32
      %lt3A_208 = vector.broadcast %lt3A_207 : i32 to vector<16xi32>
      %lt3A_209 = arith.cmpi slt, %add3A_165, %lt3A_208 : vector<16xi32>
      tpu.vector_store_idx %arg5[%add3A_199, %sub3A_203, %get3A_206], %broadcast_in_dim3A_9 masked %lt3A_209 : memref<2x26x1000xf32, #tpu.memory_space<vmem>>[vector<16xi32>, vector<16xi32>, vector<16xi32>], vector<16xf32>, vector<16xi1>
      %iota3A_210 = tpu.iota {dimensions = array<i32: 0>} : vector<16xi32>
      %add3A_211 = arith.constant 16 : i32
      %add3A_212 = vector.broadcast %add3A_211 : i32 to vector<16xi32>
      %add3A_213 = arith.addi %iota3A_210, %add3A_212 : vector<16xi32>
      %jit3A_214 = arith.constant 26 : i32
      %div3A_215 = vector.broadcast %jit3A_214 : i32 to vector<16xi32>
      %div3A_216 = arith.divsi %add3A_213, %div3A_215 : vector<16xi32>
      %sign3A_217 = arith.constant 0 : i32
      %sign3A_218 = vector.broadcast %sign3A_217 : i32 to vector<16xi32>
      %sign3A_219 = arith.cmpi sgt, %add3A_213, %sign3A_218 : vector<16xi32>
      %sign3A_220 = arith.extui %sign3A_219 : vector<16xi1> to vector<16xi32>
      %sign3A_221 = arith.constant 0 : i32
      %sign3A_222 = vector.broadcast %sign3A_221 : i32 to vector<16xi32>
      %sign3A_223 = arith.cmpi slt, %add3A_213, %sign3A_222 : vector<16xi32>
      %sign3A_224 = arith.extui %sign3A_223 : vector<16xi1> to vector<16xi32>
      %sign3A_225 = arith.subi %sign3A_220, %sign3A_224 : vector<16xi32>
      %sign3A_226 = arith.constant 0 : i32
      %sign3A_227 = arith.cmpi sgt, %jit3A_214, %sign3A_226 : i32
      %sign3A_228 = arith.extui %sign3A_227 : i1 to i32
      %sign3A_229 = arith.constant 0 : i32
      %sign3A_230 = arith.cmpi slt, %jit3A_214, %sign3A_229 : i32
      %sign3A_231 = arith.extui %sign3A_230 : i1 to i32
      %sign3A_232 = arith.subi %sign3A_228, %sign3A_231 : i32
      %ne3A_233 = vector.broadcast %sign3A_232 : i32 to vector<16xi32>
      %ne3A_234 = arith.cmpi ne, %sign3A_225, %ne3A_233 : vector<16xi32>
      %rem3A_235 = vector.broadcast %jit3A_214 : i32 to vector<16xi32>
      %rem3A_236 = arith.remsi %add3A_213, %rem3A_235 : vector<16xi32>
      %ne3A_237 = arith.constant 0 : i32
      %ne3A_238 = vector.broadcast %ne3A_237 : i32 to vector<16xi32>
      %ne3A_239 = arith.cmpi ne, %rem3A_236, %ne3A_238 : vector<16xi32>
      %and3A_240 = arith.andi %ne3A_234, %ne3A_239 : vector<16xi1>
      %sub3A_241 = arith.constant 1 : i32
      %sub3A_242 = vector.broadcast %sub3A_241 : i32 to vector<16xi32>
      %sub3A_243 = arith.subi %div3A_216, %sub3A_242 : vector<16xi32>
      %select_n3A_244 = arith.select %and3A_240, %sub3A_243, %div3A_216 : vector<16xi1>, vector<16xi32>
      %add3A_245 = arith.constant 1 : i32
      %add3A_246 = vector.broadcast %add3A_245 : i32 to vector<16xi32>
      %add3A_247 = arith.addi %select_n3A_244, %add3A_246 : vector<16xi32>
      %mul3A_248 = arith.constant 26 : i32
      %mul3A_249 = vector.broadcast %mul3A_248 : i32 to vector<16xi32>
      %mul3A_250 = arith.muli %mul3A_249, %select_n3A_244 : vector<16xi32>
      %sub3A_251 = arith.subi %add3A_213, %mul3A_250 : vector<16xi32>
      %get3A_252 = arith.index_cast %add3A_153 : i32 to index
      %get3A_253 = arith.constant 16 : index
      %get3A_254 = tpu.vector_load %arg4[%get3A_252, %get3A_253] {strides = array<i32>} : memref<128x32xi32, #tpu.memory_space<vmem>>, vector<16xi32>,
      %lt3A_255 = arith.constant 26 : i32
      %lt3A_256 = vector.broadcast %lt3A_255 : i32 to vector<16xi32>
      %lt3A_257 = arith.cmpi slt, %add3A_213, %lt3A_256 : vector<16xi32>
      tpu.vector_store_idx %arg5[%add3A_247, %sub3A_251, %get3A_254], %broadcast_in_dim3A_9 masked %lt3A_257 : memref<2x26x1000xf32, #tpu.memory_space<vmem>>[vector<16xi32>, vector<16xi32>, vector<16xi32>], vector<16xf32>, vector<16xi1>
      %dma_start3A_258 = arith.constant 1 : i32
      %dma_start3A_259 = arith.constant 0 : i32
      %dma_start3A_260 = arith.constant 0 : i32
      %dma_start3A_261 = tpu.memref_slice %arg5[%dma_start3A_258, %dma_start3A_259, %dma_start3A_260] : memref<2x26x1000xf32, #tpu.memory_space<vmem>> -> memref<1x26x1000xf32, #tpu.memory_space<vmem>>
      %dma_start3A_262 = arith.constant 0 : i32
      %dma_start3A_263 = arith.constant 0 : i32
      %dma_start3A_264 = tpu.memref_slice %arg3[%add3A_156, %dma_start3A_262, %dma_start3A_263] : memref<4096x26x1000xf32, #tpu.memory_space<hbm>> -> memref<1x26x1000xf32, #tpu.memory_space<hbm>>
      %dma_start3A_265 = arith.constant 0 : i32
      %dma_start3A_266 = arith.constant 0 : i32
      %dma_start3A_267 = tpu.memref_slice %arg3[%add3A_156, %dma_start3A_265, %dma_start3A_266] : memref<4096x26x1000xf32, #tpu.memory_space<hbm>> -> memref<1x26x1000xf32, #tpu.memory_space<hbm>>
      %dma_start3A_268 = arith.constant 1 : i32
      %dma_start3A_269 = arith.constant 0 : i32
      %dma_start3A_270 = arith.constant 0 : i32
      %dma_start3A_271 = tpu.memref_slice %arg5[%dma_start3A_268, %dma_start3A_269, %dma_start3A_270] : memref<2x26x1000xf32, #tpu.memory_space<vmem>> -> memref<1x26x1000xf32, #tpu.memory_space<vmem>>
      tpu.enqueue_dma source(%dma_start3A_271 : memref<1x26x1000xf32, #tpu.memory_space<vmem>>) target(%dma_start3A_267 : memref<1x26x1000xf32, #tpu.memory_space<hbm>>) target_semaphore(%arg7 : memref<!tpu.dma_semaphore, #tpu.memory_space<semaphore_mem>>)
    }
    %scan3A_14 = arith.constant 64 : i32
    %dma_wait3A = arith.constant 0 : i32
    %dma_wait3A_15 = arith.constant 0 : i32
    %dma_wait3A_16 = arith.constant 0 : i32
    %dma_wait3A_17 = tpu.memref_slice %arg5[%dma_wait3A, %dma_wait3A_15, %dma_wait3A_16] : memref<2x26x1000xf32, #tpu.memory_space<vmem>> -> memref<1x26x1000xf32, #tpu.memory_space<vmem>>
    %dma_wait3A_18 = arith.constant 0 : i32
    %dma_wait3A_19 = arith.constant 0 : i32
    %dma_wait3A_20 = tpu.memref_slice %arg3[%mul3A_2, %dma_wait3A_18, %dma_wait3A_19] : memref<4096x26x1000xf32, #tpu.memory_space<hbm>> -> memref<1x26x1000xf32, #tpu.memory_space<hbm>>
    %dma_wait3A_21 = arith.constant 0 : i32
    %dma_wait3A_22 = arith.constant 0 : i32
    %dma_wait3A_23 = tpu.memref_slice %arg3[%mul3A_2, %dma_wait3A_21, %dma_wait3A_22] : memref<4096x26x1000xf32, #tpu.memory_space<hbm>> -> memref<1x26x1000xf32, #tpu.memory_space<hbm>>
    %dma_wait3A_24 = arith.constant 0 : i32
    %dma_wait3A_25 = arith.constant 0 : i32
    %dma_wait3A_26 = arith.constant 0 : i32
    %dma_wait3A_27 = tpu.memref_slice %arg5[%dma_wait3A_24, %dma_wait3A_25, %dma_wait3A_26] : memref<2x26x1000xf32, #tpu.memory_space<vmem>> -> memref<1x26x1000xf32, #tpu.memory_space<vmem>>
    tpu.wait_dma2 semaphore(%arg6 : memref<!tpu.dma_semaphore, #tpu.memory_space<semaphore_mem>>) src(%dma_wait3A_27 : memref<1x26x1000xf32, #tpu.memory_space<vmem>>) dst(%dma_wait3A_23 : memref<1x26x1000xf32, #tpu.memory_space<hbm>>)
    %dma_wait3A_28 = arith.constant 1 : i32
    %dma_wait3A_29 = arith.constant 0 : i32
    %dma_wait3A_30 = arith.constant 0 : i32
    %dma_wait3A_31 = tpu.memref_slice %arg5[%dma_wait3A_28, %dma_wait3A_29, %dma_wait3A_30] : memref<2x26x1000xf32, #tpu.memory_space<vmem>> -> memref<1x26x1000xf32, #tpu.memory_space<vmem>>
    %dma_wait3A_32 = arith.constant 0 : i32
    %dma_wait3A_33 = arith.constant 0 : i32
    %dma_wait3A_34 = tpu.memref_slice %arg3[%mul3A_2, %dma_wait3A_32, %dma_wait3A_33] : memref<4096x26x1000xf32, #tpu.memory_space<hbm>> -> memref<1x26x1000xf32, #tpu.memory_space<hbm>>
    %dma_wait3A_35 = arith.constant 0 : i32
    %dma_wait3A_36 = arith.constant 0 : i32
    %dma_wait3A_37 = tpu.memref_slice %arg3[%mul3A_2, %dma_wait3A_35, %dma_wait3A_36] : memref<4096x26x1000xf32, #tpu.memory_space<hbm>> -> memref<1x26x1000xf32, #tpu.memory_space<hbm>>
    %dma_wait3A_38 = arith.constant 1 : i32
    %dma_wait3A_39 = arith.constant 0 : i32
    %dma_wait3A_40 = arith.constant 0 : i32
    %dma_wait3A_41 = tpu.memref_slice %arg5[%dma_wait3A_38, %dma_wait3A_39, %dma_wait3A_40] : memref<2x26x1000xf32, #tpu.memory_space<vmem>> -> memref<1x26x1000xf32, #tpu.memory_space<vmem>>
    tpu.wait_dma2 semaphore(%arg7 : memref<!tpu.dma_semaphore, #tpu.memory_space<semaphore_mem>>) src(%dma_wait3A_41 : memref<1x26x1000xf32, #tpu.memory_space<vmem>>) dst(%dma_wait3A_37 : memref<1x26x1000xf32, #tpu.memory_space<hbm>>)
    return
  }
}

</mosaic_0001>

<sc_bundles>
// kernel: kernel.3.cloned.1.call-start
scs
__scs_entry_jumppad:
0x0: {  	(pc) =	sbr.rel $0x88, $3  }
0x1: {  	(tag) =	ssettag $0x0;
	lr =	simm.s32 $0x1  }
0x2: {  	[smem:$0x3FA0] =	sst lr;
	_ =	strace $0xD0000000  }
0x3: {  	_ = 	snop  }
0x4: {  	_ = 	snop  }
0x5: {  	_ = 	snop  }
0x6: {  	_ = 	snop  }
0x7: {  	_ = 	snop  }
__scs_overlays_trampoline_lowered:
0x8: {  	[smem:$0x3FAF] =	sst s0  }
0x9: {  	[smem:$0x3FB0] =	sst s1  }
0xa: {  	[smem:$0x3FB1] =	sst s2  }
0xb: {  	[smem:$0x3FB2] =	sst s3  }
0xc: {  	[smem:$0x3FB3] =	sst s4  }
0xd: {  	[smem:$0x3FB4] =	sst s5  }
0xe: {  	[smem:$0x3FB5] =	sst s6  }
0xf: {  	[smem:$0x3FB6] =	sst s7  }
0x10: {  	[smem:$0x3FB7] =	sst s8  }
0x11: {  	[smem:$0x3FB8] =	sst s9;
	s0 =	simm.s32 @!p0 $0x0  }
0x12: {  	s1 =	sld [smem:$0x3F9E];
	s0 =	simm.s32 @p0 $0x1  }
0x13: {  	[smem:$0x3FB9] =	sst s0;
	s0 =	simm.s32 @!p1 $0x0  }
0x14: {  	s2 =	sld [smem:$0x3F9D];
	s0 =	simm.s32 @p1 $0x1  }
0x15: {  	[smem:$0x3FBA] =	sst s0;
	s0 =	simm.s32 @!p2 $0x0  }
0x16: {  	s3 =	sld [smem:$0x3FDB];
	s0 =	simm.s32 @p2 $0x1  }
0x17: {  	s4 =	simm.s32 $0x1BF5;
	[smem:$0x3FBC] =	sst s0  }
0x18: {  	s0 =	sld [smem:$0x3F9F];
	_ =	swait.ge [sflag:s4], $0x0  }
0x19: {  	s7 =	sld [smem:$0x3FA0]  }
0x1a: {  	s8 =	sadd.s32 $0xFFFFE003, lr  }
0x1b: {  	s9 =	sadd.s32 $0xFFFFFEF7, lr;
	s5 =	simm.s32 $0xFFFFFFFF;
	p2 =	slt.u32 s8, $0xFFFFF086  }
0x1c: {  	p1 =	slt.u32 s9, $0xF7A;
	s5 =	simm.s32 @!p2 $0x0  }
0x1d: {  	s5 =	simm.s32 @p1 $0x1;
	p0 =	seq.s32 s7, s2  }
0x1e: {  	s7 =	smul.u32 @!p0 $0xF7A, s2;
	p2 =	seq.s32 @!p0 s5, $0x0  }
0x1f: {  	s9 =	smul.u32 $0xF7A, s1;
	s8 =	simm.s32 @!p0 $0x1BF5;
	p2 =	por !p2, p0  }
0x20: {  	[sflag:s8] =	ssyncset.s32 @!p0 $0xFFFFF086;
	s6 =	sadd.s32 @!p0 s3, s7;
	s7 =	simm.s32 @!p0 $0x108  }
0x21: {  	s3 =	sadd.s32 s3, s9;
	s6 =	sadd.s32 @!p0 $0x88, s6;
	s7 =	simm.s32 @p2 $0x1082  }
0x22: {  	[simem:s7], [sflag:s8] =	dma.local @!p0 [hbm:s6], $0xF7A  }
0x23: {  	s9 =	sor.u32 $0xD0000000, s2;
	s6 =	simm.s32 $0x108;
	_ =	swait.ge @!p0 [sflag:s8], $0x0  }
0x24: {  	s3 =	sadd.s32 $0x88, s3;
	s6 =	simm.s32 @!p1 $0x1082;
	[sflag:s4] =	ssyncset.s32 $0xFFFFF086  }
0x25: {  	[simem:s6], [sflag:s4] =	dma.local [hbm:s3], $0xF7A  }
0x26: {  	[smem:$0x3FA0] =	sst s1;
	(tag) =	ssettag s2;
	_ =	strace s9  }
0x27: {  	s1 =	sld [smem:$0x3FB0]  }
0x28: {  	s2 =	sld [smem:$0x3FB1]  }
0x29: {  	s4 =	sld [smem:$0x3FB3]  }
0x2a: {  	p0 =	seq.s32 s5, $0x0;
	s5 =	sld [smem:$0x3FB4]  }
0x2b: {  	s6 =	sld [smem:$0x3FB5]  }
0x2c: {  	s7 =	sld [smem:$0x3FB6]  }
0x2d: {  	s3 =	simm.s32 $0x108;
	s8 =	sld [smem:$0x3FB7]  }
0x2e: {  	s3 =	simm.s32 @!p0 $0x1082;
	s9 =	sld [smem:$0x3FB8]  }
0x2f: {  	lr =	sadd.s32 s0, s3;
	s0 =	sld [smem:$0x3FAF]  }
0x30: {  	s3 =	sld [smem:$0x3FB2]  }
0x31: {  	[smem:$0x3FBB] =	sst s10  }
0x32: {  	s10 =	sld [smem:$0x3FB9];
	_ =	sdelay $0x3  }
0x33: {  	p0 =	seq.s32 s10, $0x1;
	s10 =	sld [smem:$0x3FBB];
	_ =	sdelay $0x3  }
0x34: {  	[smem:$0x3FBB] =	sst s10  }
0x35: {  	s10 =	sld [smem:$0x3FBA];
	_ =	sdelay $0x3  }
0x36: {  	p1 =	seq.s32 s10, $0x1;
	s10 =	sld [smem:$0x3FBB];
	_ =	sdelay $0x3  }
0x37: {  	[smem:$0x3FBB] =	sst s10  }
0x38: {  	s10 =	sld [smem:$0x3FBC]  }
0x39: {  	_ = 	snop;
	(pc) =	sbr.ind lr, $3  }
0x3a: {  	_ = 	snop  }
0x3b: {  	_ = 	snop  }
0x3c: {  	p2 =	seq.s32 s10, $0x1;
	s10 =	sld [smem:$0x3FBB]  }
0x3d: {  	_ =	shalt  }
0x3e: {  	_ =	shalt  }
0x3f: {  	_ =	shalt  }
0x40: {  	_ =	shalt  }
0x41: {  	_ =	shalt  }
0x42: {  	_ =	shalt  }
0x43: {  	_ =	shalt  }
0x44: {  	_ =	shalt  }
0x45: {  	_ =	shalt  }
0x46: {  	_ =	shalt  }
0x47: {  	_ =	shalt  }
0x48: {  	_ =	shalt  }
0x49: {  	_ =	shalt  }
0x4a: {  	_ =	shalt  }
0x4b: {  	_ =	shalt  }
0x4c: {  	_ =	shalt  }
0x4d: {  	_ =	shalt  }
0x4e: {  	_ =	shalt  }
0x4f: {  	_ =	shalt  }
0x50: {  	_ =	shalt  }
0x51: {  	_ =	shalt  }
0x52: {  	_ =	shalt  }
0x53: {  	_ =	shalt  }
0x54: {  	_ =	shalt  }
0x55: {  	_ =	shalt  }
0x56: {  	_ =	shalt  }
0x57: {  	_ =	shalt  }
0x58: {  	_ =	shalt  }
0x59: {  	_ =	shalt  }
0x5a: {  	_ =	shalt  }
0x5b: {  	_ =	shalt  }
0x5c: {  	_ =	shalt  }
0x5d: {  	_ =	shalt  }
0x5e: {  	_ =	shalt  }
0x5f: {  	_ =	shalt  }
0x60: {  	_ =	shalt  }
0x61: {  	_ =	shalt  }
0x62: {  	_ =	shalt  }
0x63: {  	_ =	shalt  }
0x64: {  	_ =	shalt  }
0x65: {  	_ =	shalt  }
0x66: {  	_ =	shalt  }
0x67: {  	_ =	shalt  }
0x68: {  	_ =	shalt  }
0x69: {  	_ =	shalt  }
0x6a: {  	_ =	shalt  }
0x6b: {  	_ =	shalt  }
0x6c: {  	_ =	shalt  }
0x6d: {  	_ =	shalt  }
0x6e: {  	_ =	shalt  }
0x6f: {  	_ =	shalt  }
0x70: {  	_ =	shalt  }
0x71: {  	_ =	shalt  }
0x72: {  	_ =	shalt  }
0x73: {  	_ =	shalt  }
0x74: {  	_ =	shalt  }
0x75: {  	_ =	shalt  }
0x76: {  	_ =	shalt  }
0x77: {  	_ =	shalt  }
0x78: {  	_ =	shalt  }
0x79: {  	_ =	shalt  }
0x7a: {  	_ =	shalt  }
0x7b: {  	_ =	shalt  }
0x7c: {  	_ =	shalt  }
0x7d: {  	_ =	shalt  }
0x7e: {  	_ =	shalt  }
0x7f: {  	_ =	shalt  }
0x80: {  	_ =	shalt  }
0x81: {  	_ =	shalt  }
0x82: {  	_ =	shalt  }
0x83: {  	_ =	shalt  }
0x84: {  	_ =	shalt  }
0x85: {  	_ =	shalt  }
0x86: {  	_ =	shalt  }
0x87: {  	_ =	shalt  }
.Lfunc_end0:
.L_simem_size_0:
called_computation_lowered:
.L_overlay_start_0:
0x88: {  	s2 =	sld [smem:$0x3FD9]  }
0x89: {  	s3 =	sld [smem:$0x3FFE];
	_ =	sdelay $0x1  }
0x8a: {  	s1 =	srdreg.scid  }
0x8b: {  	s0 =	sand.u32 $0x1, s1  }
0x8c: {  	s17 =	sshll.u32 s0, $0xA;
	s2 =	sadd.s32 s3, s2  }
0x8d: {  	s2 =	sadd.s32 s2, s17  }
0x8e: {  	[smem:$0x3FC7] =	sst s2  }
0x8f: {  	_ = 	snop  }
0x90: {  	s2 =	sld [smem:$0x3FD0];
	(tm) =	ssettm $0x1  }
0x91: {  	s18 =	sld [smem:$0x3FFB];
	_ =	sdelay $0x3  }
0x92: {  	_ =	strace s18  }
0x93: {  	s3 =	sld [smem:$0x3FFC];
	_ =	sdelay $0x3  }
0x94: {  	_ =	strace s3  }
0x95: {  	s3 =	sld [smem:$0x3FFD];
	_ =	sdelay $0x3  }
0x96: {  	_ =	strace s3  }
0x97: {  	_ =	strace $0x8FFFFFFF  }
0x98: {  	s19 =	sld [smem:$0x3FDB];
	_ =	sdelay $0x1  }
0x99: {  	s4 =	simm.s32 $_scs_section_size  }
0x9a: {  	s5 =	simm.s32 $_size__tile_overlayer_lowered;
	s6 =	simm.s32 $_tile_overlayer_lowered  }
0x9b: {  	s22 =	simm.s32 $0x1BFF;
	s21 =	sshll.u32 s6, $0x1;
	s3 =	sadd.s32 s4, s19  }
0x9c: {  	s7 =	simm.s32 $0x0;
	s20 =	sshll.u32 s5, $0x1;
	s5 =	sadd.s32 s21, s3  }
0x9d: {  	[timem:s7], [sflag:s22] =	dma.local [hbm:s5], s20  }
0x9e: {  	_ =	swait.ge [sflag:s22], s20  }
0x9f: {  	s4 =	ssub.s32 $0x0, s20;
	[sflag:s22] =	ssyncset.done $0x0  }
0xa0: {  	[sflag:s22] =	ssyncadd.s32 s4;
	_ =	sdelay $0x1  }
0xa1: {  	s23 =	simm.s32 $0x1B8B  }
0xa2: {  	_ =	swait.ge [sflag:s23], $0x1  }
0xa3: {  	[sflag:s23] =	ssyncset.done $0x0  }
0xa4: {  	s25 =	simm.s32 $0x1B8E;
	s24 =	sld [smem:$0x3FFE];
	[sflag:s23] =	ssyncadd.s32 $0xFFFFFFFF  }
0xa5: {  	s26 =	simm.s32 $execute0_lowered;
	[smem:$0x3FD2] =	sst s25  }
0xa6: {  	s5 =	sshll.u32 s26, $0x1;
	_ =	strace $0x80000046;
	[dreg:$0x1] =	wrdreg $0xFFFFFFFF  }
0xa7: {  	s28 =	simm.s32 $_size_execute0_lowered;
	s3 =	sadd.s32 s3, s5;
	[dreg:$0x0] =	wrdreg $0x0  }
0xa8: {  	s5 =	sshll.u32 s28, $0x1;
	[dreg:$0x2] =	wrdreg s3  }
0xa9: {  	[dreg:$0x3] =	wrdreg s5  }
0xaa: {  	[dreg:$0x4] =	wrdreg $0xC0  }
0xab: {  	_ =	task [dreg:s7], $0x5FFFF  }
0xac: {  	[dreg:$0x1] =	wrdreg $0xFFFFFFFF  }
0xad: {  	[dreg:$0x0] =	wrdreg $0x60  }
0xae: {  	[dreg:$0x2] =	wrdreg s2  }
0xaf: {  	[dreg:$0x3] =	wrdreg s24  }
0xb0: {  	[dreg:$0x4] =	wrdreg $0x9  }
0xb1: {  	_ =	task.clear_ibuf [dreg:s7], $0x5FFFF;
	_ =	strace $0x90000046  }
0xb2: {  	s29 =	simm.s32 $0x9;
	_ =	strace $0x80000048  }
0xb3: {  	_ =	swait.ge [sflag:s29], $0x1  }
0xb4: {  	[sflag:s29] =	ssyncadd.s32 $0xFFFFFFFF  }
0xb5: {  	_ =	strace $0x90000048  }
0xb6: {  	_ =	sfence  }
0xb7: {  	s30 =	sld [smem:$0x0];
	_ =	sdelay $0x2  }
0xb8: {  	s31 =	sshll.u32 s1, $0xD;
	s1 =	sshrl.u32 s1, $0x2  }
0xb9: {  	s3 =	sand.u32 $0x4000, s31;
	s1 =	sadd.s32 s1, s30  }
0xba: {  	s0 =	sor.u32 s3, s0;
	s1 =	sshll.u32 s1, $0x11  }
0xbb: {  	s0 =	sor.u32 s1, s0  }
0xbc: {  	s0 =	sadd.s32 $0x8F2B, s0  }
0xbd: {  	[sflag:s0] =	ssyncadd.remote.s32 $0x1  }
0xbe: {  	_ =	sfence.sel $0xFFFF  }
0xbf: {  	[dreg:$0x0] =	wrdreg $0xFFFFFFFF;
	(pc) =	sbr.abs _section_cstart, $3  }
0xc0: {  	[dreg:$0x1] =	wrdreg $0xFFFFFFFF  }
0xc1: {  	_ =	task.clear_ibuf [dreg:s7], $0x2FFFF;
	_ =	strace $0x9FFFFFFF  }
0xc2: {  	(tm) =	ssettm $0x7FFFFFFF  }
0xc3: {  	_ =	shalt  }
tec
execute0_lowered:
.L_overlay_start_1:
0x0: {  	(tag) =	ssettag $0x1  }
0x1: {  	v0 =	vimm.s32 $0x2380;
	vm14 =	vcmask $0x300  }
0x2: {  	vm13 =	vcmask $0x704;
	vm12 =	vcmask $0xB08;
	vm11 =	vcmask $0xF0C  }
0x3: {  	vm10 =	vcmask $0x1310;
	vm9 =	vcmask $0x1714;
	vm8 =	vcmask $0x1B18  }
0x4: {  	vm7 =	vcmask $0x1F1C;
	vm6 =	vcmask $0x2320;
	vm5 =	vcmask $0x2724  }
0x5: {  	vm4 =	vcmask $0x2B28;
	vm3 =	vcmask $0x2F2C;
	vm2 =	vcmask $0x3330  }
0x6: {  	vm0 =	vcmask $0x3734;
	v2 =	vlaneseq.u32;
	vm1 =	vcmask $0x3B38  }
0x7: {  	v4 =	vimm.s32 $0x8280;
	v5 =	vimm.s32 $0xA380;
	v6 =	vimm.s32 $0x10280  }
0x8: {  	v0 =	vsel vm14, $0x0, v0;
	v4 =	vsel vm14, $0x4000, v4;
	v5 =	vsel vm14, $0x8000, v5  }
0x9: {  	v6 =	vsel vm14, $0xC000, v6;
	v0 =	vsel vm13, $0x80, v0;
	v4 =	vsel vm13, $0x4080, v4  }
0xa: {  	v5 =	vsel vm13, $0x8080, v5;
	v6 =	vsel vm13, $0xC080, v6;
	v0 =	vsel vm12, $0x100, v0  }
0xb: {  	v4 =	vsel vm12, $0x4100, v4;
	v5 =	vsel vm12, $0x8100, v5;
	v6 =	vsel vm12, $0xC100, v6  }
0xc: {  	v0 =	vsel vm11, $0x180, v0;
	v4 =	vsel vm11, $0x4180, v4;
	v5 =	vsel vm11, $0x8180, v5  }
0xd: {  	v6 =	vsel vm11, $0xC180, v6;
	v0 =	vsel vm10, $0x200, v0;
	v4 =	vsel vm10, $0x4200, v4  }
0xe: {  	v5 =	vsel vm10, $0x8200, v5;
	v6 =	vsel vm10, $0xC200, v6;
	v0 =	vsel vm9, $0x280, v0  }
0xf: {  	v4 =	vsel vm9, $0x4280, v4;
	v5 =	vsel vm9, $0x8280, v5;
	v6 =	vsel vm9, $0xC280, v6  }
0x10: {  	v0 =	vsel vm8, $0x300, v0;
	v4 =	vsel vm8, $0x4300, v4;
	v5 =	vsel vm8, $0x8300, v5  }
0x11: {  	s3 =	rddreg [dreg:$0x0];
	v6 =	vsel vm8, $0xC300, v6;
	v0 =	vsel vm7, $0x380, v0;
	v4 =	vsel vm7, $0x4380, v4  }
0x12: {  	s4 =	rddreg [dreg:$0x1];
	v5 =	vsel vm7, $0x8380, v5;
	v6 =	vsel vm7, $0xC380, v6;
	v0 =	vsel vm6, $0x2000, v0  }
0x13: {  	s0 =	rddreg [dreg:$0x2];
	s1 =	simm.s32 $0x0;
	v4 =	vsel vm6, $0x6000, v4;
	v5 =	vsel vm6, $0xA000, v5;
	v6 =	vsel vm6, $0xE000, v6  }
0x14: {  	s2 =	srdreg.scid;
	s11 =	simm.s32 $0x2;
	s12 =	simm.s32 $0x0;
	v0 =	vsel vm5, $0x2080, v0;
	v4 =	vsel vm5, $0x6080, v4;
	v5 =	vsel vm5, $0xA080, v5  }
0x15: {  	[smem:$0x7FF] =	sst s1;
	s5 =	sand.u32 $0x1, s2;
	s2 =	stileid.u32;
	v6 =	vsel vm5, $0xE080, v6;
	v0 =	vsel vm4, $0x2100, v0;
	v4 =	vsel vm4, $0x8000, v4  }
0x16: {  	s4 =	sadd.s32 $0x400, s4;
	_ =	strace $0x80000047;
	s6 =	ssub.s32 $0x2, s5;
	v5 =	vsel vm4, $0xA100, v5;
	v6 =	vsel vm4, $0x10000, v6;
	v1 =	vsel vm3, $0x2180, v0  }
0x17: {  	s8 =	sshll.u32 s2, $0xC;
	s9 =	sshll.u32 s5, $0xB;
	s10 =	sshll.u32 s2, $0x14;
	v0 =	vimm.f32 $0.0e+00;
	v4 =	vsel vm3, $0x8080, v4;
	v5 =	vsel vm3, $0xA180, v5  }
0x18: {  	s5 =	sshll.u32 s5, $0x13;
	s7 =	sshrl.u32 s6, $0x1;
	s29 =	sor.u32 s9, s8;
	v6 =	vsel vm3, $0x10080, v6;
	v1 =	vsel vm2, $0x2200, v1;
	v4 =	vsel vm2, $0x8100, v4  }
0x19: {  	s30 =	sor.u32 s5, s10;
	s31 =	sadd.s32 s10, s4;
	s9 =	simm.s32 $0x4000;
	v5 =	vsel vm2, $0xA200, v5;
	v6 =	vsel vm2, $0x10100, v6;
	v3 =	vsel vm0, $0x2280, v1  }
0x1a: {  	s10 =	simm.s32 $0xC000;
	s6 =	ssub.s32 s6, s7;
	s3 =	sadd.s32 s3, s29;
	v1 =	vadd.s32 $0x58, v2;
	v4 =	vsel vm0, $0x8180, v4;
	v5 =	vsel vm0, $0xA280, v5  }
0x1b: {  	s8 =	sadd.s32 s30, s4;
	s5 =	sadd.s32 s5, s31;
	s7 =	simm.s32 $0x3;
	v6 =	vsel vm0, $0x10180, v6;
	v2 =	vsel vm1, $0x2300, v3;
	v3 =	vimm.f32 $1.000000000e+00  }
0x1c: {  	s4 =	smax.u32 s6, $0x1;
	s6 =	sadd.s32 $0x1000, s8;
	s8 =	simm.s32 $0x1;
	v4 =	vsel vm1, $0x8200, v4;
	v5 =	vsel vm1, $0xA300, v5;
	v6 =	vsel vm1, $0x10200, v6  }
.LBB2_1:
0x1d: {  	[tilespmem:s1], [sflag:$0x3] =	stream.linear.gather [hbm4b:s3+s1], $0x4000, $0x38;
	[tilespmem:$0x14000] =	vst v63  }
0x1e: {  	_ =	swait.ge [sflag:s7], $0x4000  }
0x1f: {  	[sflag:s7] =	ssyncset.done $0x0  }
0x20: {  	s14 =	simm.s32 $0x0;
	[sflag:s7] =	ssyncadd.s32 $0xFFFFC000  }
.LBB2_2:
0x21: {  	p0 =	sgt.u32 s14, $0x19;
	s13 =	simm.s32 $0xFFFFFFE6  }
0x22: {  	s13 =	simm.s32 @!p0 $0x0  }
0x23: {  	s13 =	sadd.s32 s14, s13  }
0x24: {  	s16 =	simm.s32 $0x8000;
	s15 =	sshll.u32 s13, $0xA  }
0x25: {  	s16 =	simm.s32 @!p0 $0x0;
	s17 =	sshll.u32 s13, $0x7;
	s15 =	sand.u32 $0xFFFFE000, s15  }
0x26: {  	s17 =	sand.u32 $0x380, s17;
	s15 =	sadd.s32 s15, s16  }
0x27: {  	s16 =	sor.u32 s17, s15;
	s15 =	simm.s32 $0x0  }
0x28: {  	s16 =	sadd.s32 $0x4000, s16;
	s31 =	sand.u32 $0x1C00, s15  }
0x29: {  	s19 =	sand.u32 $0x70, s15;
	s17 =	sadd.s32 s31, s16  }
0x2a: {  	s18 =	simm.s32 $0x10;
	s17 =	sadd.s32 s19, s17  }
.LBB2_3:
0x2b: {  	p1 =	sne.s32 s18, $0x3D0  }
0x2c: {  	[tilespmem:s17+$0x0] =	vst v0;
	s15 =	sadd.s32 $0x80, s15;
	s17 =	smov.u32 s18;
	s18 =	sadd.s32 $0x10, s18  }
.Ltmp0:
0x2d: {  	(pc) =	sbr.rel @p1 .LBB2_3-.Ltmp0, $4  }
0x2e: {  	_ = 	snop  }
0x2f: {  	s19 =	sand.u32 $0x1C00, s15  }
0x30: {  	s17 =	sand.u32 $0x70, s17;
	s19 =	sadd.s32 s19, s16  }
0x31: {  	s17 =	sadd.s32 s17, s19  }
0x32: {  	v7 =	vmov s13;
	s13 =	simm.s32 $0x1  }
0x33: {  	s13 =	simm.s32 @!p0 $0x0;
	v8 =	vshll.u32 v7, $0xA  }
0x34: {  	v7 =	vshll.u32 v7, $0x7;
	s13 =	sshll.u32 s13, $0xF;
	v8 =	vand.u32 $0xFFFFE000, v8  }
0x35: {  	v7 =	vand.u32 $0x380, v7;
	v8 =	vadd.s32 s13, v8  }
0x36: {  	v7 =	vor.u32 v7, v8  }
0x37: {  	s14 =	sadd.s32 $0x1, s14;
	v7 =	vor.u32 v1, v7  }
0x38: {  	p0 =	sne.s32 s14, $0x34;
	v7 =	vor.u32 $0x1C00, v7  }
.Ltmp1:
0x39: {  	_ = 	snop;
	(pc) =	sbr.rel @p0 .LBB2_2-.Ltmp1, $3  }
0x3a: {  	_ =	sdelay $0x1  }
0x3b: {  	[tilespmem:s17+$0x0] =	vst v0  }
0x3c: {  	s13 =	simm.s32 $0x0;
	[tilespmem:v7+s9+$0x0] =	vst.idx.msk $0xffff, v0  }
0x3d: {  	s14 =	smov.u32 s6;
	s15 =	smov.u32 s5  }
.LBB2_6:
0x3e: {  	p0 =	seq.s32 s13, $0x0  }
0x3f: {  	_ =	swait.ge @!p0 [sflag:s8], $0x8000  }
0x40: {  	s16 =	simm.s32 $0x0;
	[sflag:s8] =	ssyncset.done @!p0 $0x0  }
0x41: {  	s16 =	sshra.s32 @!p0 s13, $0x2;
	[sflag:s8] =	ssyncadd.s32 @!p0 $0xFFFF8000  }
0x42: {  	v7 =	vld @!p0 [tilespmem:s16+$0xFFFFFF00];
	_ =	sdelay $0x4  }
0x43: {  	v8 =	vshll.u32 @!p0 v7, $0x3  }
0x44: {  	v7 =	vand.u32 @!p0 $0x7F, v7;
	v8 =	vand.u32 @!p0 $0xFFFFFC00, v8  }
0x45: {  	v7 =	vor.u32 @!p0 v7, v8  }
0x46: {  	v7 =	vadd.s32 @!p0 v2, v7;
	_ =	sdelay $0x4  }
0x47: {  	[tilespmem:v7+s9+$0x0] =	vst.idx.msk @!p0 $0xffff, v0  }
0x48: {  	v7 =	vld @!p0 [tilespmem:s16+$0xFFFFFF10];
	_ =	sdelay $0x4  }
0x49: {  	v8 =	vshll.u32 @!p0 v7, $0x3  }
0x4a: {  	v7 =	vand.u32 @!p0 $0x7F, v7;
	v8 =	vand.u32 @!p0 $0xFFFFFC00, v8  }
0x4b: {  	v7 =	vor.u32 @!p0 v7, v8  }
0x4c: {  	v7 =	vadd.s32 @!p0 v4, v7;
	_ =	sdelay $0x3  }
0x4d: {  	s16 =	smov.u32 @!p0 s13  }
0x4e: {  	s16 =	sshra.s32 s16, $0x2;
	[tilespmem:v7+s9+$0x0] =	vst.idx.msk @!p0 $0x3ff, v0  }
0x4f: {  	v7 =	vld [tilespmem:s16+$0x0];
	_ =	sdelay $0x4  }
0x50: {  	v8 =	vshll.u32 v7, $0x3  }
0x51: {  	v7 =	vand.u32 $0x7F, v7;
	v8 =	vand.u32 $0xFFFFFC00, v8  }
0x52: {  	v7 =	vor.u32 v7, v8  }
0x53: {  	v7 =	vadd.s32 v2, v7;
	_ =	sdelay $0x4  }
0x54: {  	[tilespmem:v7+s9+$0x0] =	vst.idx.msk $0xffff, v3  }
0x55: {  	v7 =	vld [tilespmem:s16+$0x10];
	_ =	sdelay $0x4  }
0x56: {  	v8 =	vshll.u32 v7, $0x3  }
0x57: {  	v7 =	vand.u32 $0x7F, v7;
	v8 =	vand.u32 $0xFFFFFC00, v8  }
0x58: {  	v7 =	vor.u32 v7, v8  }
0x59: {  	v7 =	vadd.s32 v4, v7;
	_ =	sdelay $0x4  }
0x5a: {  	[tilespmem:v7+s9+$0x0] =	vst.idx.msk $0x3ff, v3  }
0x5b: {  	[hbm4b:s15+s1] =	stream.linear.scatter [tilespmem:s9], [sflag:$0x1], $0x8000, $0x38;
	[tilespmem:$0x14000] =	vst v63  }
0x5c: {  	_ =	swait.ge @!p0 [sflag:s11], $0x8000  }
0x5d: {  	[sflag:s11] =	ssyncset.done @!p0 $0x0  }
0x5e: {  	[sflag:s11] =	ssyncadd.s32 @!p0 $0xFFFF8000  }
0x5f: {  	v7 =	vld @!p0 [tilespmem:s16+$0xFFFFFF80];
	_ =	sdelay $0x4  }
0x60: {  	v8 =	vshll.u32 @!p0 v7, $0x3  }
0x61: {  	v7 =	vand.u32 @!p0 $0x7F, v7;
	v8 =	vand.u32 @!p0 $0xFFFFFC00, v8  }
0x62: {  	v7 =	vor.u32 @!p0 v7, v8  }
0x63: {  	v7 =	vadd.s32 @!p0 v5, v7;
	_ =	sdelay $0x4  }
0x64: {  	[tilespmem:v7+s9+$0x0] =	vst.idx.msk @!p0 $0xffff, v0  }
0x65: {  	v7 =	vld @!p0 [tilespmem:s16+$0xFFFFFF90];
	_ =	sdelay $0x4  }
0x66: {  	v8 =	vshll.u32 @!p0 v7, $0x3  }
0x67: {  	v7 =	vand.u32 @!p0 $0x7F, v7;
	v8 =	vand.u32 @!p0 $0xFFFFFC00, v8  }
0x68: {  	v7 =	vor.u32 @!p0 v7, v8  }
0x69: {  	v7 =	vadd.s32 @!p0 v6, v7;
	_ =	sdelay $0x4  }
0x6a: {  	s31 =	sshra.s32 s13, $0x2;
	[tilespmem:v7+s9+$0x0] =	vst.idx.msk @!p0 $0x3ff, v0  }
0x6b: {  	v7 =	vld [tilespmem:s31+$0x80];
	_ =	sdelay $0x4  }
0x6c: {  	v8 =	vshll.u32 v7, $0x3  }
0x6d: {  	v7 =	vand.u32 $0x7F, v7;
	v8 =	vand.u32 $0xFFFFFC00, v8  }
0x6e: {  	v7 =	vor.u32 v7, v8  }
0x6f: {  	v7 =	vadd.s32 v5, v7;
	_ =	sdelay $0x4  }
0x70: {  	[tilespmem:v7+s9+$0x0] =	vst.idx.msk $0xffff, v3  }
0x71: {  	v7 =	vld [tilespmem:s31+$0x90];
	_ =	sdelay $0x4  }
0x72: {  	v8 =	vshll.u32 v7, $0x3  }
0x73: {  	v7 =	vand.u32 $0x7F, v7;
	v8 =	vand.u32 $0xFFFFFC00, v8  }
0x74: {  	v7 =	vor.u32 v7, v8  }
0x75: {  	v7 =	vadd.s32 v6, v7  }
0x76: {  	s13 =	sadd.s32 $0x400, s13  }
0x77: {  	p0 =	sne.s32 s13, $0x10000  }
.Ltmp2:
0x78: {  	_ = 	snop;
	(pc) =	sbr.rel @p0 .LBB2_6-.Ltmp2, $4  }
0x79: {  	_ = 	snop  }
0x7a: {  	[tilespmem:v7+s9+$0x0] =	vst.idx.msk $0x3ff, v3  }
0x7b: {  	[hbm4b:s14+s1] =	stream.linear.scatter [tilespmem:s10], [sflag:$0x2], $0x8000, $0x38;
	[tilespmem:$0x14000] =	vst v63  }
0x7c: {  	s15 =	sadd.s32 $0x2000, s15;
	s14 =	sadd.s32 $0x2000, s14  }
0x7d: {  	s12 =	sadd.s32 $0x1, s12  }
0x7e: {  	_ =	swait.ge [sflag:s8], $0x8000;
	p0 =	sne.s32 s12, s4  }
.Ltmp3:
0x7f: {  	[sflag:s8] =	ssyncset.done $0x0;
	(pc) =	sbr.rel @p0 .LBB2_1-.Ltmp3, $4  }
0x80: {  	[sflag:s8] =	ssyncadd.s32 $0xFFFF8000  }
0x81: {  	_ =	swait.ge [sflag:s11], $0x8000  }
0x82: {  	[sflag:s11] =	ssyncset.done $0x0  }
0x83: {  	[sflag:s11] =	ssyncadd.s32 $0xFFFF8000  }
0x84: {  	_ =	sfence.sel $0x180000  }
0x85: {  	[bflag:$0x0] =	sbarrier.arrive $0xFFFF  }
0x86: {  	p0 =	sne.s32 s2, $0x0;
	_ =	strace $0x90000047  }
0x87: {  	s0 =	sadd.s32 @!p0 $0x100000, s0;
	[bflag:$0x2] =	sbarrier.arrive $0xFFFF  }
0x88: {  	[sflag:s0] =	ssyncadd.tile.s32 @!p0 $0x1;
	_ =	shalt  }
.Lfunc_end2:
_tile_overlayer_lowered:
.L_overlay_start_2:
0x89: {  	(tag) =	ssettag $0x2  }
0x8a: {  	s0 =	rddreg [dreg:$0x0];
	s2 =	stileid.u32  }
0x8b: {  	s1 =	rddreg [dreg:$0x1];
	p0 =	sne.s32 s2, $0x0  }
0x8c: {  	s3 =	rddreg [dreg:$0x2];
	[bflag:$0x3] =	sbarrier.arrive $0xFFFF;
	s2 =	simm.s32 @!p0 $0x1C03  }
0x8d: {  	[timem:s3], [sflag:s2] =	dma.local @!p0 [hbm:s0], s1  }
0x8e: {  	s0 =	simm.s32 @!p0 $0x3  }
0x8f: {  	_ =	swait.ge @!p0 [sflag:s0], s1  }
0x90: {  	s1 =	ssub.s32 @!p0 $0x0, s1;
	[sflag:s0] =	ssyncset.done @!p0 $0x0  }
0x91: {  	[sflag:s0] =	ssyncadd.s32 @!p0 s1  }
0x92: {  	[bflag:$0x3] =	sbarrier.arrive $0xFFFF  }
0x93: {  	_ =	shalt  }

</sc_bundles>
